<compile_context>
chip_gen: v7x
topology: tpu7x:2x2x1
jax: 0.10.2.dev20260603
libtpu: 0.0.44.dev20260713+nightly
codegen_flags: <defaults>
</compile_context>

<pallas_src>
import jax
import jax.numpy as jnp
from jax import lax
from jax.experimental import pallas as pl
from jax.experimental.pallas import tpu as pltpu
from jax.experimental.pallas import tpu_sc as plsc

B = 16384
D = 32
NROWS = 1000000

_info = plsc.get_sparse_core_info()
NC, NS, L = _info.num_cores, _info.num_subcores, _info.num_lanes
NW = NC * NS
BPW = B // NW
CHUNK = 128
NCHUNK = BPW // CHUNK
NG = BPW // L


def _mf_body(users_h, items_h, uemb_h, iemb_h, ub_h, ib_h, gb_h,
             scores_h, reg_h,
             idx_u, idx_i, urows, irows, ub, ib, gb_v, scores_v, reg_v, sem):
    wid = lax.axis_index("s") * NC + lax.axis_index("c")
    base = wid * BPW

    cps = []
    for j in range(NCHUNK):
        src_u = users_h.at[pl.ds(base + j * CHUNK, CHUNK)]
        src_i = items_h.at[pl.ds(base + j * CHUNK, CHUNK)]
        cps.append(pltpu.async_copy(src_u, idx_u.at[j], sem))
        cps.append(pltpu.async_copy(src_i, idx_i.at[j], sem))
    cps.append(pltpu.async_copy(gb_h, gb_v, sem))
    for c in cps:
        c.wait()

    cps = []
    for j in range(NCHUNK):
        s = pl.ds(j * CHUNK, CHUNK)
        cps.append(pltpu.async_copy(uemb_h.at[idx_u.at[j]], urows.at[s], sem))
        cps.append(pltpu.async_copy(iemb_h.at[idx_i.at[j]], irows.at[s], sem))
        cps.append(pltpu.async_copy(ub_h.at[idx_u.at[j]], ub.at[s], sem))
        cps.append(pltpu.async_copy(ib_h.at[idx_i.at[j]], ib.at[s], sem))
    for c in cps:
        c.wait()

    iota = lax.iota(jnp.int32, L)
    gb = gb_v[...]

    def group(g, racc):
        rows = g * L + iota
        acc = jnp.zeros((L,), jnp.float32)
        for k in range(D):
            col = lax.bitwise_and(iota + k, D - 1)
            uv = plsc.load_gather(urows, [rows, col])
            iv = plsc.load_gather(irows, [rows, col])
            acc = acc + uv * iv
            racc = racc + uv * uv + iv * iv
        ubv = plsc.load_gather(ub, [rows])
        ibv = plsc.load_gather(ib, [rows])
        racc = racc + ubv * ubv + ibv * ibv
        x = acc + ubv + ibv + gb
        s = 1.0 / (1.0 + jnp.exp(-x))
        plsc.store_scatter(scores_v, [rows], s)
        return racc

    racc = lax.fori_loop(0, NG, group, jnp.zeros((L,), jnp.float32))
    reg_v[...] = racc
    pltpu.sync_copy(scores_v, scores_h.at[pl.ds(base, BPW)])
    pltpu.sync_copy(reg_v, reg_h.at[wid])


def kernel(users, items, user_emb, item_emb, user_bias, item_bias, global_bias):
    users = users.astype(jnp.int32)
    items = items.astype(jnp.int32)
    ub1 = user_bias.reshape(NROWS)
    ib1 = item_bias.reshape(NROWS)
    gb_vec = jnp.broadcast_to(global_bias.astype(jnp.float32), (L,))
    mesh = plsc.VectorSubcoreMesh(core_axis_name="c", subcore_axis_name="s")
    run = pl.kernel(
        _mf_body,
        mesh=mesh,
        compiler_params=pltpu.CompilerParams(
            use_tc_tiling_on_sc=False, needs_layout_passes=False),
        out_type=[
            jax.ShapeDtypeStruct((B,), jnp.float32),
            jax.ShapeDtypeStruct((NW, L), jnp.float32),
        ],
        scratch_types=[
            pltpu.VMEM((NCHUNK, CHUNK), jnp.int32),
            pltpu.VMEM((NCHUNK, CHUNK), jnp.int32),
            pltpu.VMEM((BPW, D), jnp.float32),
            pltpu.VMEM((BPW, D), jnp.float32),
            pltpu.VMEM((BPW,), jnp.float32),
            pltpu.VMEM((BPW,), jnp.float32),
            pltpu.VMEM((L,), jnp.float32),
            pltpu.VMEM((BPW,), jnp.float32),
            pltpu.VMEM((L,), jnp.float32),
            pltpu.SemaphoreType.DMA,
        ],
    )
    scores, reg_parts = run(users, items, user_emb, item_emb,
                            ub1, ib1, gb_vec)
    regularizer = jnp.sum(reg_parts) / jnp.float32(B)
    return scores, regularizer

# --- scband reference (transcript-rebuilt; emitter-appended) ---
"""Pipeline reference for scband-mf-46170898432686 (READ-ONLY COPY).

The authoritative reference and input builder live on the scoring server;
editing this copy changes nothing except your own understanding.
"""

import jax, jax.numpy as jnp
import numpy as np

N_USERS = 1000000
N_ITEMS = 1000000
EMB_DIM = 32
BATCH = 16384
STDDEV = 0.1


def setup_inputs(seed: int = 0) -> dict:
    key = jax.random.key(seed)
    k_u, k_i, k_ue, k_ie = jax.random.split(key, 4)
    users = jax.random.randint(k_u, (BATCH,), 0, N_USERS, dtype=jnp.int64 if jax.config.jax_enable_x64 else jnp.int32)
    items = jax.random.randint(k_i, (BATCH,), 0, N_ITEMS, dtype=jnp.int64 if jax.config.jax_enable_x64 else jnp.int32)
    user_emb = jax.random.normal(k_ue, (N_USERS, EMB_DIM), dtype=jnp.float32) * STDDEV
    item_emb = jax.random.normal(k_ie, (N_ITEMS, EMB_DIM), dtype=jnp.float32) * STDDEV
    user_bias = jnp.zeros((N_USERS, 1), dtype=jnp.float32)
    item_bias = jnp.zeros((N_ITEMS, 1), dtype=jnp.float32)
    global_bias = jnp.zeros((1,), dtype=jnp.float32)
    return {
        "users": users,
        "items": items,
        "user_emb": user_emb,
        "item_emb": item_emb,
        "user_bias": user_bias,
        "item_bias": item_bias,
        "global_bias": global_bias,
    }


def reference(users, items, user_emb, item_emb, user_bias, item_bias, global_bias):
    # Embedding lookups (gathers)
    u_emb = jnp.take(user_emb, users, axis=0)          # [B, D]
    i_emb = jnp.take(item_emb, items, axis=0)          # [B, D]
    u_bias = jnp.take(user_bias, users, axis=0)        # [B, 1]
    i_bias = jnp.take(item_bias, items, axis=0)        # [B, 1]

    # scores = sigmoid(sum(u*i, dim=1) + u_bias + i_bias + global_bias)
    dot = jnp.sum(u_emb * i_emb, axis=1)               # [B]
    scores = jax.nn.sigmoid(dot + jnp.squeeze(u_bias, axis=1) + jnp.squeeze(i_bias, axis=1) + global_bias)

    # L2 regularizer over the gathered rows, normalized by batch size
    regularizer = (jnp.sum(u_emb ** 2) + jnp.sum(i_emb ** 2) + jnp.sum(u_bias ** 2) + jnp.sum(i_bias ** 2)) / u_emb.shape[0]
    return (scores, regularizer)

if __name__ == "__main__":
    import jax
    _d = setup_inputs()
    print(jax.jit(kernel)(*tuple(_d.values())))

</pallas_src>

<mosaic_0001>
#map = affine_map<(d0, d1) -> (0)>
#map1 = affine_map<(d0, d1) -> (0, 0)>
module attributes {stable_mosaic.version = 14 : i64} {
  func.func @_mf_body(%arg0: i32, %arg1: i32, %arg2: memref<16384xi32, #tpu.memory_space<hbm>>, %arg3: memref<16384xi32, #tpu.memory_space<hbm>>, %arg4: memref<1000000x32xf32, #tpu.memory_space<hbm>>, %arg5: memref<1000000x32xf32, #tpu.memory_space<hbm>>, %arg6: memref<1000000xf32, #tpu.memory_space<hbm>>, %arg7: memref<1000000xf32, #tpu.memory_space<hbm>>, %arg8: memref<16xf32, #tpu.memory_space<hbm>>, %arg9: memref<16384xf32, #tpu.memory_space<hbm>>, %arg10: memref<32x16xf32, #tpu.memory_space<hbm>>, %arg11: memref<4x128xi32, #tpu.memory_space<vmem>>, %arg12: memref<4x128xi32, #tpu.memory_space<vmem>>, %arg13: memref<512x32xf32, #tpu.memory_space<vmem>>, %arg14: memref<512x32xf32, #tpu.memory_space<vmem>>, %arg15: memref<512xf32, #tpu.memory_space<vmem>>, %arg16: memref<512xf32, #tpu.memory_space<vmem>>, %arg17: memref<16xf32, #tpu.memory_space<vmem>>, %arg18: memref<512xf32, #tpu.memory_space<vmem>>, %arg19: memref<16xf32, #tpu.memory_space<vmem>>, %arg20: memref<!tpu.dma_semaphore, #tpu.memory_space<semaphore_mem>>) attributes {dimension_semantics = [#tpu.dimension_semantics<core_parallel>, #tpu.dimension_semantics<subcore_parallel>], iteration_bounds = array<i64: 2, 16>, scalar_prefetch = 0 : i64, scratch_operands = 10 : i64, tpu.core_type = #tpu.core_type<sc_vector_subcore>, window_params = [{transform_indices = #map}, {transform_indices = #map}, {transform_indices = #map1}, {transform_indices = #map1}, {transform_indices = #map}, {transform_indices = #map}, {transform_indices = #map}, {transform_indices = #map}, {transform_indices = #map1}]} {
    %mul3A = arith.constant 2 : i32
    %mul3A_0 = arith.muli %arg1, %mul3A : i32
    %add3A = arith.addi %mul3A_0, %arg0 : i32
    %mul3A_1 = arith.constant 512 : i32
    %mul3A_2 = arith.muli %add3A, %mul3A_1 : i32
    %add3A_3 = arith.constant 0 : i32
    %add3A_4 = arith.addi %mul3A_2, %add3A_3 : i32
    %add3A_5 = arith.constant 0 : i32
    %add3A_6 = arith.addi %mul3A_2, %add3A_5 : i32
    %dma_start3A = arith.constant 0 : i32
    %dma_start3A_7 = arith.constant 0 : i32
    %dma_start3A_8 = tpu.memref_slice %arg11[%dma_start3A, %dma_start3A_7] : memref<4x128xi32, #tpu.memory_space<vmem>> -> memref<1x128xi32, #tpu.memory_space<vmem>>
    %dma_start3A_9 = tpu.memref_squeeze %dma_start3A_8 : memref<1x128xi32, #tpu.memory_space<vmem>> -> memref<128xi32, #tpu.memory_space<vmem>>
    %dma_start3A_10 = tpu.memref_slice %arg2[%add3A_4] : memref<16384xi32, #tpu.memory_space<hbm>> -> memref<128xi32, #tpu.memory_space<hbm>>
    %dma_start3A_11 = arith.constant 0 : i32
    %dma_start3A_12 = tpu.memref_slice %arg11[%dma_start3A, %dma_start3A_11] : memref<4x128xi32, #tpu.memory_space<vmem>> -> memref<1x128xi32, #tpu.memory_space<vmem>>
    %dma_start3A_13 = tpu.memref_squeeze %dma_start3A_12 : memref<1x128xi32, #tpu.memory_space<vmem>> -> memref<128xi32, #tpu.memory_space<vmem>>
    %dma_start3A_14 = tpu.memref_slice %arg2[%add3A_4] : memref<16384xi32, #tpu.memory_space<hbm>> -> memref<128xi32, #tpu.memory_space<hbm>>
    tpu.enqueue_dma source(%dma_start3A_14 : memref<128xi32, #tpu.memory_space<hbm>>) target(%dma_start3A_13 : memref<128xi32, #tpu.memory_space<vmem>>) target_semaphore(%arg20 : memref<!tpu.dma_semaphore, #tpu.memory_space<semaphore_mem>>)
    %dma_start3A_15 = arith.constant 0 : i32
    %dma_start3A_16 = arith.constant 0 : i32
    %dma_start3A_17 = tpu.memref_slice %arg12[%dma_start3A_15, %dma_start3A_16] : memref<4x128xi32, #tpu.memory_space<vmem>> -> memref<1x128xi32, #tpu.memory_space<vmem>>
    %dma_start3A_18 = tpu.memref_squeeze %dma_start3A_17 : memref<1x128xi32, #tpu.memory_space<vmem>> -> memref<128xi32, #tpu.memory_space<vmem>>
    %dma_start3A_19 = tpu.memref_slice %arg3[%add3A_6] : memref<16384xi32, #tpu.memory_space<hbm>> -> memref<128xi32, #tpu.memory_space<hbm>>
    %dma_start3A_20 = arith.constant 0 : i32
    %dma_start3A_21 = tpu.memref_slice %arg12[%dma_start3A_15, %dma_start3A_20] : memref<4x128xi32, #tpu.memory_space<vmem>> -> memref<1x128xi32, #tpu.memory_space<vmem>>
    %dma_start3A_22 = tpu.memref_squeeze %dma_start3A_21 : memref<1x128xi32, #tpu.memory_space<vmem>> -> memref<128xi32, #tpu.memory_space<vmem>>
    %dma_start3A_23 = tpu.memref_slice %arg3[%add3A_6] : memref<16384xi32, #tpu.memory_space<hbm>> -> memref<128xi32, #tpu.memory_space<hbm>>
    tpu.enqueue_dma source(%dma_start3A_23 : memref<128xi32, #tpu.memory_space<hbm>>) target(%dma_start3A_22 : memref<128xi32, #tpu.memory_space<vmem>>) target_semaphore(%arg20 : memref<!tpu.dma_semaphore, #tpu.memory_space<semaphore_mem>>)
    %add3A_24 = arith.constant 128 : i32
    %add3A_25 = arith.addi %mul3A_2, %add3A_24 : i32
    %add3A_26 = arith.constant 128 : i32
    %add3A_27 = arith.addi %mul3A_2, %add3A_26 : i32
    %dma_start3A_28 = arith.constant 1 : i32
    %dma_start3A_29 = arith.constant 0 : i32
    %dma_start3A_30 = tpu.memref_slice %arg11[%dma_start3A_28, %dma_start3A_29] : memref<4x128xi32, #tpu.memory_space<vmem>> -> memref<1x128xi32, #tpu.memory_space<vmem>>
    %dma_start3A_31 = tpu.memref_squeeze %dma_start3A_30 : memref<1x128xi32, #tpu.memory_space<vmem>> -> memref<128xi32, #tpu.memory_space<vmem>>
    %dma_start3A_32 = tpu.memref_slice %arg2[%add3A_25] : memref<16384xi32, #tpu.memory_space<hbm>> -> memref<128xi32, #tpu.memory_space<hbm>>
    %dma_start3A_33 = arith.constant 0 : i32
    %dma_start3A_34 = tpu.memref_slice %arg11[%dma_start3A_28, %dma_start3A_33] : memref<4x128xi32, #tpu.memory_space<vmem>> -> memref<1x128xi32, #tpu.memory_space<vmem>>
    %dma_start3A_35 = tpu.memref_squeeze %dma_start3A_34 : memref<1x128xi32, #tpu.memory_space<vmem>> -> memref<128xi32, #tpu.memory_space<vmem>>
    %dma_start3A_36 = tpu.memref_slice %arg2[%add3A_25] : memref<16384xi32, #tpu.memory_space<hbm>> -> memref<128xi32, #tpu.memory_space<hbm>>
    tpu.enqueue_dma source(%dma_start3A_36 : memref<128xi32, #tpu.memory_space<hbm>>) target(%dma_start3A_35 : memref<128xi32, #tpu.memory_space<vmem>>) target_semaphore(%arg20 : memref<!tpu.dma_semaphore, #tpu.memory_space<semaphore_mem>>)
    %dma_start3A_37 = arith.constant 1 : i32
    %dma_start3A_38 = arith.constant 0 : i32
    %dma_start3A_39 = tpu.memref_slice %arg12[%dma_start3A_37, %dma_start3A_38] : memref<4x128xi32, #tpu.memory_space<vmem>> -> memref<1x128xi32, #tpu.memory_space<vmem>>
    %dma_start3A_40 = tpu.memref_squeeze %dma_start3A_39 : memref<1x128xi32, #tpu.memory_space<vmem>> -> memref<128xi32, #tpu.memory_space<vmem>>
    %dma_start3A_41 = tpu.memref_slice %arg3[%add3A_27] : memref<16384xi32, #tpu.memory_space<hbm>> -> memref<128xi32, #tpu.memory_space<hbm>>
    %dma_start3A_42 = arith.constant 0 : i32
    %dma_start3A_43 = tpu.memref_slice %arg12[%dma_start3A_37, %dma_start3A_42] : memref<4x128xi32, #tpu.memory_space<vmem>> -> memref<1x128xi32, #tpu.memory_space<vmem>>
    %dma_start3A_44 = tpu.memref_squeeze %dma_start3A_43 : memref<1x128xi32, #tpu.memory_space<vmem>> -> memref<128xi32, #tpu.memory_space<vmem>>
    %dma_start3A_45 = tpu.memref_slice %arg3[%add3A_27] : memref<16384xi32, #tpu.memory_space<hbm>> -> memref<128xi32, #tpu.memory_space<hbm>>
    tpu.enqueue_dma source(%dma_start3A_45 : memref<128xi32, #tpu.memory_space<hbm>>) target(%dma_start3A_44 : memref<128xi32, #tpu.memory_space<vmem>>) target_semaphore(%arg20 : memref<!tpu.dma_semaphore, #tpu.memory_space<semaphore_mem>>)
    %add3A_46 = arith.constant 256 : i32
    %add3A_47 = arith.addi %mul3A_2, %add3A_46 : i32
    %add3A_48 = arith.constant 256 : i32
    %add3A_49 = arith.addi %mul3A_2, %add3A_48 : i32
    %dma_start3A_50 = arith.constant 2 : i32
    %dma_start3A_51 = arith.constant 0 : i32
    %dma_start3A_52 = tpu.memref_slice %arg11[%dma_start3A_50, %dma_start3A_51] : memref<4x128xi32, #tpu.memory_space<vmem>> -> memref<1x128xi32, #tpu.memory_space<vmem>>
    %dma_start3A_53 = tpu.memref_squeeze %dma_start3A_52 : memref<1x128xi32, #tpu.memory_space<vmem>> -> memref<128xi32, #tpu.memory_space<vmem>>
    %dma_start3A_54 = tpu.memref_slice %arg2[%add3A_47] : memref<16384xi32, #tpu.memory_space<hbm>> -> memref<128xi32, #tpu.memory_space<hbm>>
    %dma_start3A_55 = arith.constant 0 : i32
    %dma_start3A_56 = tpu.memref_slice %arg11[%dma_start3A_50, %dma_start3A_55] : memref<4x128xi32, #tpu.memory_space<vmem>> -> memref<1x128xi32, #tpu.memory_space<vmem>>
    %dma_start3A_57 = tpu.memref_squeeze %dma_start3A_56 : memref<1x128xi32, #tpu.memory_space<vmem>> -> memref<128xi32, #tpu.memory_space<vmem>>
    %dma_start3A_58 = tpu.memref_slice %arg2[%add3A_47] : memref<16384xi32, #tpu.memory_space<hbm>> -> memref<128xi32, #tpu.memory_space<hbm>>
    tpu.enqueue_dma source(%dma_start3A_58 : memref<128xi32, #tpu.memory_space<hbm>>) target(%dma_start3A_57 : memref<128xi32, #tpu.memory_space<vmem>>) target_semaphore(%arg20 : memref<!tpu.dma_semaphore, #tpu.memory_space<semaphore_mem>>)
    %dma_start3A_59 = arith.constant 2 : i32
    %dma_start3A_60 = arith.constant 0 : i32
    %dma_start3A_61 = tpu.memref_slice %arg12[%dma_start3A_59, %dma_start3A_60] : memref<4x128xi32, #tpu.memory_space<vmem>> -> memref<1x128xi32, #tpu.memory_space<vmem>>
    %dma_start3A_62 = tpu.memref_squeeze %dma_start3A_61 : memref<1x128xi32, #tpu.memory_space<vmem>> -> memref<128xi32, #tpu.memory_space<vmem>>
    %dma_start3A_63 = tpu.memref_slice %arg3[%add3A_49] : memref<16384xi32, #tpu.memory_space<hbm>> -> memref<128xi32, #tpu.memory_space<hbm>>
    %dma_start3A_64 = arith.constant 0 : i32
    %dma_start3A_65 = tpu.memref_slice %arg12[%dma_start3A_59, %dma_start3A_64] : memref<4x128xi32, #tpu.memory_space<vmem>> -> memref<1x128xi32, #tpu.memory_space<vmem>>
    %dma_start3A_66 = tpu.memref_squeeze %dma_start3A_65 : memref<1x128xi32, #tpu.memory_space<vmem>> -> memref<128xi32, #tpu.memory_space<vmem>>
    %dma_start3A_67 = tpu.memref_slice %arg3[%add3A_49] : memref<16384xi32, #tpu.memory_space<hbm>> -> memref<128xi32, #tpu.memory_space<hbm>>
    tpu.enqueue_dma source(%dma_start3A_67 : memref<128xi32, #tpu.memory_space<hbm>>) target(%dma_start3A_66 : memref<128xi32, #tpu.memory_space<vmem>>) target_semaphore(%arg20 : memref<!tpu.dma_semaphore, #tpu.memory_space<semaphore_mem>>)
    %add3A_68 = arith.constant 384 : i32
    %add3A_69 = arith.addi %mul3A_2, %add3A_68 : i32
    %add3A_70 = arith.constant 384 : i32
    %add3A_71 = arith.addi %mul3A_2, %add3A_70 : i32
    %dma_start3A_72 = arith.constant 3 : i32
    %dma_start3A_73 = arith.constant 0 : i32
    %dma_start3A_74 = tpu.memref_slice %arg11[%dma_start3A_72, %dma_start3A_73] : memref<4x128xi32, #tpu.memory_space<vmem>> -> memref<1x128xi32, #tpu.memory_space<vmem>>
    %dma_start3A_75 = tpu.memref_squeeze %dma_start3A_74 : memref<1x128xi32, #tpu.memory_space<vmem>> -> memref<128xi32, #tpu.memory_space<vmem>>
    %dma_start3A_76 = tpu.memref_slice %arg2[%add3A_69] : memref<16384xi32, #tpu.memory_space<hbm>> -> memref<128xi32, #tpu.memory_space<hbm>>
    %dma_start3A_77 = arith.constant 0 : i32
    %dma_start3A_78 = tpu.memref_slice %arg11[%dma_start3A_72, %dma_start3A_77] : memref<4x128xi32, #tpu.memory_space<vmem>> -> memref<1x128xi32, #tpu.memory_space<vmem>>
    %dma_start3A_79 = tpu.memref_squeeze %dma_start3A_78 : memref<1x128xi32, #tpu.memory_space<vmem>> -> memref<128xi32, #tpu.memory_space<vmem>>
    %dma_start3A_80 = tpu.memref_slice %arg2[%add3A_69] : memref<16384xi32, #tpu.memory_space<hbm>> -> memref<128xi32, #tpu.memory_space<hbm>>
    tpu.enqueue_dma source(%dma_start3A_80 : memref<128xi32, #tpu.memory_space<hbm>>) target(%dma_start3A_79 : memref<128xi32, #tpu.memory_space<vmem>>) target_semaphore(%arg20 : memref<!tpu.dma_semaphore, #tpu.memory_space<semaphore_mem>>)
    %dma_start3A_81 = arith.constant 3 : i32
    %dma_start3A_82 = arith.constant 0 : i32
    %dma_start3A_83 = tpu.memref_slice %arg12[%dma_start3A_81, %dma_start3A_82] : memref<4x128xi32, #tpu.memory_space<vmem>> -> memref<1x128xi32, #tpu.memory_space<vmem>>
    %dma_start3A_84 = tpu.memref_squeeze %dma_start3A_83 : memref<1x128xi32, #tpu.memory_space<vmem>> -> memref<128xi32, #tpu.memory_space<vmem>>
    %dma_start3A_85 = tpu.memref_slice %arg3[%add3A_71] : memref<16384xi32, #tpu.memory_space<hbm>> -> memref<128xi32, #tpu.memory_space<hbm>>
    %dma_start3A_86 = arith.constant 0 : i32
    %dma_start3A_87 = tpu.memref_slice %arg12[%dma_start3A_81, %dma_start3A_86] : memref<4x128xi32, #tpu.memory_space<vmem>> -> memref<1x128xi32, #tpu.memory_space<vmem>>
    %dma_start3A_88 = tpu.memref_squeeze %dma_start3A_87 : memref<1x128xi32, #tpu.memory_space<vmem>> -> memref<128xi32, #tpu.memory_space<vmem>>
    %dma_start3A_89 = tpu.memref_slice %arg3[%add3A_71] : memref<16384xi32, #tpu.memory_space<hbm>> -> memref<128xi32, #tpu.memory_space<hbm>>
    tpu.enqueue_dma source(%dma_start3A_89 : memref<128xi32, #tpu.memory_space<hbm>>) target(%dma_start3A_88 : memref<128xi32, #tpu.memory_space<vmem>>) target_semaphore(%arg20 : memref<!tpu.dma_semaphore, #tpu.memory_space<semaphore_mem>>)
    tpu.enqueue_dma source(%arg8 : memref<16xf32, #tpu.memory_space<hbm>>) target(%arg17 : memref<16xf32, #tpu.memory_space<vmem>>) target_semaphore(%arg20 : memref<!tpu.dma_semaphore, #tpu.memory_space<semaphore_mem>>)
    %dma_wait3A = arith.constant 0 : i32
    %dma_wait3A_90 = arith.constant 0 : i32
    %dma_wait3A_91 = tpu.memref_slice %arg11[%dma_wait3A, %dma_wait3A_90] : memref<4x128xi32, #tpu.memory_space<vmem>> -> memref<1x128xi32, #tpu.memory_space<vmem>>
    %dma_wait3A_92 = tpu.memref_squeeze %dma_wait3A_91 : memref<1x128xi32, #tpu.memory_space<vmem>> -> memref<128xi32, #tpu.memory_space<vmem>>
    %dma_wait3A_93 = tpu.memref_slice %arg2[%add3A_4] : memref<16384xi32, #tpu.memory_space<hbm>> -> memref<128xi32, #tpu.memory_space<hbm>>
    %dma_wait3A_94 = arith.constant 0 : i32
    %dma_wait3A_95 = tpu.memref_slice %arg11[%dma_wait3A, %dma_wait3A_94] : memref<4x128xi32, #tpu.memory_space<vmem>> -> memref<1x128xi32, #tpu.memory_space<vmem>>
    %dma_wait3A_96 = tpu.memref_squeeze %dma_wait3A_95 : memref<1x128xi32, #tpu.memory_space<vmem>> -> memref<128xi32, #tpu.memory_space<vmem>>
    %dma_wait3A_97 = tpu.memref_slice %arg2[%add3A_4] : memref<16384xi32, #tpu.memory_space<hbm>> -> memref<128xi32, #tpu.memory_space<hbm>>
    tpu.wait_dma2 semaphore(%arg20 : memref<!tpu.dma_semaphore, #tpu.memory_space<semaphore_mem>>) src(%dma_wait3A_97 : memref<128xi32, #tpu.memory_space<hbm>>) dst(%dma_wait3A_96 : memref<128xi32, #tpu.memory_space<vmem>>)
    %dma_wait3A_98 = arith.constant 0 : i32
    %dma_wait3A_99 = arith.constant 0 : i32
    %dma_wait3A_100 = tpu.memref_slice %arg12[%dma_wait3A_98, %dma_wait3A_99] : memref<4x128xi32, #tpu.memory_space<vmem>> -> memref<1x128xi32, #tpu.memory_space<vmem>>
    %dma_wait3A_101 = tpu.memref_squeeze %dma_wait3A_100 : memref<1x128xi32, #tpu.memory_space<vmem>> -> memref<128xi32, #tpu.memory_space<vmem>>
    %dma_wait3A_102 = tpu.memref_slice %arg3[%add3A_6] : memref<16384xi32, #tpu.memory_space<hbm>> -> memref<128xi32, #tpu.memory_space<hbm>>
    %dma_wait3A_103 = arith.constant 0 : i32
    %dma_wait3A_104 = tpu.memref_slice %arg12[%dma_wait3A_98, %dma_wait3A_103] : memref<4x128xi32, #tpu.memory_space<vmem>> -> memref<1x128xi32, #tpu.memory_space<vmem>>
    %dma_wait3A_105 = tpu.memref_squeeze %dma_wait3A_104 : memref<1x128xi32, #tpu.memory_space<vmem>> -> memref<128xi32, #tpu.memory_space<vmem>>
    %dma_wait3A_106 = tpu.memref_slice %arg3[%add3A_6] : memref<16384xi32, #tpu.memory_space<hbm>> -> memref<128xi32, #tpu.memory_space<hbm>>
    tpu.wait_dma2 semaphore(%arg20 : memref<!tpu.dma_semaphore, #tpu.memory_space<semaphore_mem>>) src(%dma_wait3A_106 : memref<128xi32, #tpu.memory_space<hbm>>) dst(%dma_wait3A_105 : memref<128xi32, #tpu.memory_space<vmem>>)
    %dma_wait3A_107 = arith.constant 1 : i32
    %dma_wait3A_108 = arith.constant 0 : i32
    %dma_wait3A_109 = tpu.memref_slice %arg11[%dma_wait3A_107, %dma_wait3A_108] : memref<4x128xi32, #tpu.memory_space<vmem>> -> memref<1x128xi32, #tpu.memory_space<vmem>>
    %dma_wait3A_110 = tpu.memref_squeeze %dma_wait3A_109 : memref<1x128xi32, #tpu.memory_space<vmem>> -> memref<128xi32, #tpu.memory_space<vmem>>
    %dma_wait3A_111 = tpu.memref_slice %arg2[%add3A_25] : memref<16384xi32, #tpu.memory_space<hbm>> -> memref<128xi32, #tpu.memory_space<hbm>>
    %dma_wait3A_112 = arith.constant 0 : i32
    %dma_wait3A_113 = tpu.memref_slice %arg11[%dma_wait3A_107, %dma_wait3A_112] : memref<4x128xi32, #tpu.memory_space<vmem>> -> memref<1x128xi32, #tpu.memory_space<vmem>>
    %dma_wait3A_114 = tpu.memref_squeeze %dma_wait3A_113 : memref<1x128xi32, #tpu.memory_space<vmem>> -> memref<128xi32, #tpu.memory_space<vmem>>
    %dma_wait3A_115 = tpu.memref_slice %arg2[%add3A_25] : memref<16384xi32, #tpu.memory_space<hbm>> -> memref<128xi32, #tpu.memory_space<hbm>>
    tpu.wait_dma2 semaphore(%arg20 : memref<!tpu.dma_semaphore, #tpu.memory_space<semaphore_mem>>) src(%dma_wait3A_115 : memref<128xi32, #tpu.memory_space<hbm>>) dst(%dma_wait3A_114 : memref<128xi32, #tpu.memory_space<vmem>>)
    %dma_wait3A_116 = arith.constant 1 : i32
    %dma_wait3A_117 = arith.constant 0 : i32
    %dma_wait3A_118 = tpu.memref_slice %arg12[%dma_wait3A_116, %dma_wait3A_117] : memref<4x128xi32, #tpu.memory_space<vmem>> -> memref<1x128xi32, #tpu.memory_space<vmem>>
    %dma_wait3A_119 = tpu.memref_squeeze %dma_wait3A_118 : memref<1x128xi32, #tpu.memory_space<vmem>> -> memref<128xi32, #tpu.memory_space<vmem>>
    %dma_wait3A_120 = tpu.memref_slice %arg3[%add3A_27] : memref<16384xi32, #tpu.memory_space<hbm>> -> memref<128xi32, #tpu.memory_space<hbm>>
    %dma_wait3A_121 = arith.constant 0 : i32
    %dma_wait3A_122 = tpu.memref_slice %arg12[%dma_wait3A_116, %dma_wait3A_121] : memref<4x128xi32, #tpu.memory_space<vmem>> -> memref<1x128xi32, #tpu.memory_space<vmem>>
    %dma_wait3A_123 = tpu.memref_squeeze %dma_wait3A_122 : memref<1x128xi32, #tpu.memory_space<vmem>> -> memref<128xi32, #tpu.memory_space<vmem>>
    %dma_wait3A_124 = tpu.memref_slice %arg3[%add3A_27] : memref<16384xi32, #tpu.memory_space<hbm>> -> memref<128xi32, #tpu.memory_space<hbm>>
    tpu.wait_dma2 semaphore(%arg20 : memref<!tpu.dma_semaphore, #tpu.memory_space<semaphore_mem>>) src(%dma_wait3A_124 : memref<128xi32, #tpu.memory_space<hbm>>) dst(%dma_wait3A_123 : memref<128xi32, #tpu.memory_space<vmem>>)
    %dma_wait3A_125 = arith.constant 2 : i32
    %dma_wait3A_126 = arith.constant 0 : i32
    %dma_wait3A_127 = tpu.memref_slice %arg11[%dma_wait3A_125, %dma_wait3A_126] : memref<4x128xi32, #tpu.memory_space<vmem>> -> memref<1x128xi32, #tpu.memory_space<vmem>>
    %dma_wait3A_128 = tpu.memref_squeeze %dma_wait3A_127 : memref<1x128xi32, #tpu.memory_space<vmem>> -> memref<128xi32, #tpu.memory_space<vmem>>
    %dma_wait3A_129 = tpu.memref_slice %arg2[%add3A_47] : memref<16384xi32, #tpu.memory_space<hbm>> -> memref<128xi32, #tpu.memory_space<hbm>>
    %dma_wait3A_130 = arith.constant 0 : i32
    %dma_wait3A_131 = tpu.memref_slice %arg11[%dma_wait3A_125, %dma_wait3A_130] : memref<4x128xi32, #tpu.memory_space<vmem>> -> memref<1x128xi32, #tpu.memory_space<vmem>>
    %dma_wait3A_132 = tpu.memref_squeeze %dma_wait3A_131 : memref<1x128xi32, #tpu.memory_space<vmem>> -> memref<128xi32, #tpu.memory_space<vmem>>
    %dma_wait3A_133 = tpu.memref_slice %arg2[%add3A_47] : memref<16384xi32, #tpu.memory_space<hbm>> -> memref<128xi32, #tpu.memory_space<hbm>>
    tpu.wait_dma2 semaphore(%arg20 : memref<!tpu.dma_semaphore, #tpu.memory_space<semaphore_mem>>) src(%dma_wait3A_133 : memref<128xi32, #tpu.memory_space<hbm>>) dst(%dma_wait3A_132 : memref<128xi32, #tpu.memory_space<vmem>>)
    %dma_wait3A_134 = arith.constant 2 : i32
    %dma_wait3A_135 = arith.constant 0 : i32
    %dma_wait3A_136 = tpu.memref_slice %arg12[%dma_wait3A_134, %dma_wait3A_135] : memref<4x128xi32, #tpu.memory_space<vmem>> -> memref<1x128xi32, #tpu.memory_space<vmem>>
    %dma_wait3A_137 = tpu.memref_squeeze %dma_wait3A_136 : memref<1x128xi32, #tpu.memory_space<vmem>> -> memref<128xi32, #tpu.memory_space<vmem>>
    %dma_wait3A_138 = tpu.memref_slice %arg3[%add3A_49] : memref<16384xi32, #tpu.memory_space<hbm>> -> memref<128xi32, #tpu.memory_space<hbm>>
    %dma_wait3A_139 = arith.constant 0 : i32
    %dma_wait3A_140 = tpu.memref_slice %arg12[%dma_wait3A_134, %dma_wait3A_139] : memref<4x128xi32, #tpu.memory_space<vmem>> -> memref<1x128xi32, #tpu.memory_space<vmem>>
    %dma_wait3A_141 = tpu.memref_squeeze %dma_wait3A_140 : memref<1x128xi32, #tpu.memory_space<vmem>> -> memref<128xi32, #tpu.memory_space<vmem>>
    %dma_wait3A_142 = tpu.memref_slice %arg3[%add3A_49] : memref<16384xi32, #tpu.memory_space<hbm>> -> memref<128xi32, #tpu.memory_space<hbm>>
    tpu.wait_dma2 semaphore(%arg20 : memref<!tpu.dma_semaphore, #tpu.memory_space<semaphore_mem>>) src(%dma_wait3A_142 : memref<128xi32, #tpu.memory_space<hbm>>) dst(%dma_wait3A_141 : memref<128xi32, #tpu.memory_space<vmem>>)
    %dma_wait3A_143 = arith.constant 3 : i32
    %dma_wait3A_144 = arith.constant 0 : i32
    %dma_wait3A_145 = tpu.memref_slice %arg11[%dma_wait3A_143, %dma_wait3A_144] : memref<4x128xi32, #tpu.memory_space<vmem>> -> memref<1x128xi32, #tpu.memory_space<vmem>>
    %dma_wait3A_146 = tpu.memref_squeeze %dma_wait3A_145 : memref<1x128xi32, #tpu.memory_space<vmem>> -> memref<128xi32, #tpu.memory_space<vmem>>
    %dma_wait3A_147 = tpu.memref_slice %arg2[%add3A_69] : memref<16384xi32, #tpu.memory_space<hbm>> -> memref<128xi32, #tpu.memory_space<hbm>>
    %dma_wait3A_148 = arith.constant 0 : i32
    %dma_wait3A_149 = tpu.memref_slice %arg11[%dma_wait3A_143, %dma_wait3A_148] : memref<4x128xi32, #tpu.memory_space<vmem>> -> memref<1x128xi32, #tpu.memory_space<vmem>>
    %dma_wait3A_150 = tpu.memref_squeeze %dma_wait3A_149 : memref<1x128xi32, #tpu.memory_space<vmem>> -> memref<128xi32, #tpu.memory_space<vmem>>
    %dma_wait3A_151 = tpu.memref_slice %arg2[%add3A_69] : memref<16384xi32, #tpu.memory_space<hbm>> -> memref<128xi32, #tpu.memory_space<hbm>>
    tpu.wait_dma2 semaphore(%arg20 : memref<!tpu.dma_semaphore, #tpu.memory_space<semaphore_mem>>) src(%dma_wait3A_151 : memref<128xi32, #tpu.memory_space<hbm>>) dst(%dma_wait3A_150 : memref<128xi32, #tpu.memory_space<vmem>>)
    %dma_wait3A_152 = arith.constant 3 : i32
    %dma_wait3A_153 = arith.constant 0 : i32
    %dma_wait3A_154 = tpu.memref_slice %arg12[%dma_wait3A_152, %dma_wait3A_153] : memref<4x128xi32, #tpu.memory_space<vmem>> -> memref<1x128xi32, #tpu.memory_space<vmem>>
    %dma_wait3A_155 = tpu.memref_squeeze %dma_wait3A_154 : memref<1x128xi32, #tpu.memory_space<vmem>> -> memref<128xi32, #tpu.memory_space<vmem>>
    %dma_wait3A_156 = tpu.memref_slice %arg3[%add3A_71] : memref<16384xi32, #tpu.memory_space<hbm>> -> memref<128xi32, #tpu.memory_space<hbm>>
    %dma_wait3A_157 = arith.constant 0 : i32
    %dma_wait3A_158 = tpu.memref_slice %arg12[%dma_wait3A_152, %dma_wait3A_157] : memref<4x128xi32, #tpu.memory_space<vmem>> -> memref<1x128xi32, #tpu.memory_space<vmem>>
    %dma_wait3A_159 = tpu.memref_squeeze %dma_wait3A_158 : memref<1x128xi32, #tpu.memory_space<vmem>> -> memref<128xi32, #tpu.memory_space<vmem>>
    %dma_wait3A_160 = tpu.memref_slice %arg3[%add3A_71] : memref<16384xi32, #tpu.memory_space<hbm>> -> memref<128xi32, #tpu.memory_space<hbm>>
    tpu.wait_dma2 semaphore(%arg20 : memref<!tpu.dma_semaphore, #tpu.memory_space<semaphore_mem>>) src(%dma_wait3A_160 : memref<128xi32, #tpu.memory_space<hbm>>) dst(%dma_wait3A_159 : memref<128xi32, #tpu.memory_space<vmem>>)
    tpu.wait_dma2 semaphore(%arg20 : memref<!tpu.dma_semaphore, #tpu.memory_space<semaphore_mem>>) src(%arg8 : memref<16xf32, #tpu.memory_space<hbm>>) dst(%arg17 : memref<16xf32, #tpu.memory_space<vmem>>)
    %dma_start3A_161 = arith.constant 0 : i32
    %dma_start3A_162 = arith.constant 0 : i32
    %dma_start3A_163 = arith.constant 0 : i32
    %dma_start3A_164 = tpu.memref_slice %arg13[%dma_start3A_162, %dma_start3A_163] : memref<512x32xf32, #tpu.memory_space<vmem>> -> memref<128x32xf32, #tpu.memory_space<vmem>>
    %dma_start3A_165 = arith.constant 0 : i32
    %dma_start3A_166 = tpu.memref_slice %arg11[%dma_start3A_161, %dma_start3A_165] : memref<4x128xi32, #tpu.memory_space<vmem>> -> memref<1x128xi32, #tpu.memory_space<vmem>>
    %dma_start3A_167 = tpu.memref_squeeze %dma_start3A_166 : memref<1x128xi32, #tpu.memory_space<vmem>> -> memref<128xi32, #tpu.memory_space<vmem>>
    %dma_start3A_168 = arith.constant 0 : i32
    %dma_start3A_169 = arith.constant 0 : i32
    %dma_start3A_170 = tpu.memref_slice %arg4[%dma_start3A_168, %dma_start3A_169] : memref<1000000x32xf32, #tpu.memory_space<hbm>> -> memref<1000000x32xf32, #tpu.memory_space<hbm>>
    tpu.enqueue_indirect_dma source(%dma_start3A_170 : memref<1000000x32xf32, #tpu.memory_space<hbm>>) target(%dma_start3A_164 : memref<128x32xf32, #tpu.memory_space<vmem>>) offsets(%dma_start3A_167 : memref<128xi32, #tpu.memory_space<vmem>>) semaphore(%arg20 : memref<!tpu.dma_semaphore, #tpu.memory_space<semaphore_mem>>)
    %dma_start3A_171 = arith.constant 0 : i32
    %dma_start3A_172 = arith.constant 0 : i32
    %dma_start3A_173 = arith.constant 0 : i32
    %dma_start3A_174 = tpu.memref_slice %arg14[%dma_start3A_172, %dma_start3A_173] : memref<512x32xf32, #tpu.memory_space<vmem>> -> memref<128x32xf32, #tpu.memory_space<vmem>>
    %dma_start3A_175 = arith.constant 0 : i32
    %dma_start3A_176 = tpu.memref_slice %arg12[%dma_start3A_171, %dma_start3A_175] : memref<4x128xi32, #tpu.memory_space<vmem>> -> memref<1x128xi32, #tpu.memory_space<vmem>>
    %dma_start3A_177 = tpu.memref_squeeze %dma_start3A_176 : memref<1x128xi32, #tpu.memory_space<vmem>> -> memref<128xi32, #tpu.memory_space<vmem>>
    %dma_start3A_178 = arith.constant 0 : i32
    %dma_start3A_179 = arith.constant 0 : i32
    %dma_start3A_180 = tpu.memref_slice %arg5[%dma_start3A_178, %dma_start3A_179] : memref<1000000x32xf32, #tpu.memory_space<hbm>> -> memref<1000000x32xf32, #tpu.memory_space<hbm>>
    tpu.enqueue_indirect_dma source(%dma_start3A_180 : memref<1000000x32xf32, #tpu.memory_space<hbm>>) target(%dma_start3A_174 : memref<128x32xf32, #tpu.memory_space<vmem>>) offsets(%dma_start3A_177 : memref<128xi32, #tpu.memory_space<vmem>>) semaphore(%arg20 : memref<!tpu.dma_semaphore, #tpu.memory_space<semaphore_mem>>)
    %dma_start3A_181 = arith.constant 0 : i32
    %dma_start3A_182 = arith.constant 0 : i32
    %dma_start3A_183 = tpu.memref_slice %arg15[%dma_start3A_182] : memref<512xf32, #tpu.memory_space<vmem>> -> memref<128xf32, #tpu.memory_space<vmem>>
    %dma_start3A_184 = arith.constant 0 : i32
    %dma_start3A_185 = tpu.memref_slice %arg11[%dma_start3A_181, %dma_start3A_184] : memref<4x128xi32, #tpu.memory_space<vmem>> -> memref<1x128xi32, #tpu.memory_space<vmem>>
    %dma_start3A_186 = tpu.memref_squeeze %dma_start3A_185 : memref<1x128xi32, #tpu.memory_space<vmem>> -> memref<128xi32, #tpu.memory_space<vmem>>
    %dma_start3A_187 = arith.constant 0 : i32
    %dma_start3A_188 = tpu.memref_slice %arg6[%dma_start3A_187] : memref<1000000xf32, #tpu.memory_space<hbm>> -> memref<1000000xf32, #tpu.memory_space<hbm>>
    tpu.enqueue_indirect_dma source(%dma_start3A_188 : memref<1000000xf32, #tpu.memory_space<hbm>>) target(%dma_start3A_183 : memref<128xf32, #tpu.memory_space<vmem>>) offsets(%dma_start3A_186 : memref<128xi32, #tpu.memory_space<vmem>>) semaphore(%arg20 : memref<!tpu.dma_semaphore, #tpu.memory_space<semaphore_mem>>)
    %dma_start3A_189 = arith.constant 0 : i32
    %dma_start3A_190 = arith.constant 0 : i32
    %dma_start3A_191 = tpu.memref_slice %arg16[%dma_start3A_190] : memref<512xf32, #tpu.memory_space<vmem>> -> memref<128xf32, #tpu.memory_space<vmem>>
    %dma_start3A_192 = arith.constant 0 : i32
    %dma_start3A_193 = tpu.memref_slice %arg12[%dma_start3A_189, %dma_start3A_192] : memref<4x128xi32, #tpu.memory_space<vmem>> -> memref<1x128xi32, #tpu.memory_space<vmem>>
    %dma_start3A_194 = tpu.memref_squeeze %dma_start3A_193 : memref<1x128xi32, #tpu.memory_space<vmem>> -> memref<128xi32, #tpu.memory_space<vmem>>
    %dma_start3A_195 = arith.constant 0 : i32
    %dma_start3A_196 = tpu.memref_slice %arg7[%dma_start3A_195] : memref<1000000xf32, #tpu.memory_space<hbm>> -> memref<1000000xf32, #tpu.memory_space<hbm>>
    tpu.enqueue_indirect_dma source(%dma_start3A_196 : memref<1000000xf32, #tpu.memory_space<hbm>>) target(%dma_start3A_191 : memref<128xf32, #tpu.memory_space<vmem>>) offsets(%dma_start3A_194 : memref<128xi32, #tpu.memory_space<vmem>>) semaphore(%arg20 : memref<!tpu.dma_semaphore, #tpu.memory_space<semaphore_mem>>)
    %dma_start3A_197 = arith.constant 1 : i32
    %dma_start3A_198 = arith.constant 128 : i32
    %dma_start3A_199 = arith.constant 0 : i32
    %dma_start3A_200 = tpu.memref_slice %arg13[%dma_start3A_198, %dma_start3A_199] : memref<512x32xf32, #tpu.memory_space<vmem>> -> memref<128x32xf32, #tpu.memory_space<vmem>>
    %dma_start3A_201 = arith.constant 0 : i32
    %dma_start3A_202 = tpu.memref_slice %arg11[%dma_start3A_197, %dma_start3A_201] : memref<4x128xi32, #tpu.memory_space<vmem>> -> memref<1x128xi32, #tpu.memory_space<vmem>>
    %dma_start3A_203 = tpu.memref_squeeze %dma_start3A_202 : memref<1x128xi32, #tpu.memory_space<vmem>> -> memref<128xi32, #tpu.memory_space<vmem>>
    %dma_start3A_204 = arith.constant 0 : i32
    %dma_start3A_205 = arith.constant 0 : i32
    %dma_start3A_206 = tpu.memref_slice %arg4[%dma_start3A_204, %dma_start3A_205] : memref<1000000x32xf32, #tpu.memory_space<hbm>> -> memref<1000000x32xf32, #tpu.memory_space<hbm>>
    tpu.enqueue_indirect_dma source(%dma_start3A_206 : memref<1000000x32xf32, #tpu.memory_space<hbm>>) target(%dma_start3A_200 : memref<128x32xf32, #tpu.memory_space<vmem>>) offsets(%dma_start3A_203 : memref<128xi32, #tpu.memory_space<vmem>>) semaphore(%arg20 : memref<!tpu.dma_semaphore, #tpu.memory_space<semaphore_mem>>)
    %dma_start3A_207 = arith.constant 1 : i32
    %dma_start3A_208 = arith.constant 128 : i32
    %dma_start3A_209 = arith.constant 0 : i32
    %dma_start3A_210 = tpu.memref_slice %arg14[%dma_start3A_208, %dma_start3A_209] : memref<512x32xf32, #tpu.memory_space<vmem>> -> memref<128x32xf32, #tpu.memory_space<vmem>>
    %dma_start3A_211 = arith.constant 0 : i32
    %dma_start3A_212 = tpu.memref_slice %arg12[%dma_start3A_207, %dma_start3A_211] : memref<4x128xi32, #tpu.memory_space<vmem>> -> memref<1x128xi32, #tpu.memory_space<vmem>>
    %dma_start3A_213 = tpu.memref_squeeze %dma_start3A_212 : memref<1x128xi32, #tpu.memory_space<vmem>> -> memref<128xi32, #tpu.memory_space<vmem>>
    %dma_start3A_214 = arith.constant 0 : i32
    %dma_start3A_215 = arith.constant 0 : i32
    %dma_start3A_216 = tpu.memref_slice %arg5[%dma_start3A_214, %dma_start3A_215] : memref<1000000x32xf32, #tpu.memory_space<hbm>> -> memref<1000000x32xf32, #tpu.memory_space<hbm>>
    tpu.enqueue_indirect_dma source(%dma_start3A_216 : memref<1000000x32xf32, #tpu.memory_space<hbm>>) target(%dma_start3A_210 : memref<128x32xf32, #tpu.memory_space<vmem>>) offsets(%dma_start3A_213 : memref<128xi32, #tpu.memory_space<vmem>>) semaphore(%arg20 : memref<!tpu.dma_semaphore, #tpu.memory_space<semaphore_mem>>)
    %dma_start3A_217 = arith.constant 1 : i32
    %dma_start3A_218 = arith.constant 128 : i32
    %dma_start3A_219 = tpu.memref_slice %arg15[%dma_start3A_218] : memref<512xf32, #tpu.memory_space<vmem>> -> memref<128xf32, #tpu.memory_space<vmem>>
    %dma_start3A_220 = arith.constant 0 : i32
    %dma_start3A_221 = tpu.memref_slice %arg11[%dma_start3A_217, %dma_start3A_220] : memref<4x128xi32, #tpu.memory_space<vmem>> -> memref<1x128xi32, #tpu.memory_space<vmem>>
    %dma_start3A_222 = tpu.memref_squeeze %dma_start3A_221 : memref<1x128xi32, #tpu.memory_space<vmem>> -> memref<128xi32, #tpu.memory_space<vmem>>
    %dma_start3A_223 = arith.constant 0 : i32
    %dma_start3A_224 = tpu.memref_slice %arg6[%dma_start3A_223] : memref<1000000xf32, #tpu.memory_space<hbm>> -> memref<1000000xf32, #tpu.memory_space<hbm>>
    tpu.enqueue_indirect_dma source(%dma_start3A_224 : memref<1000000xf32, #tpu.memory_space<hbm>>) target(%dma_start3A_219 : memref<128xf32, #tpu.memory_space<vmem>>) offsets(%dma_start3A_222 : memref<128xi32, #tpu.memory_space<vmem>>) semaphore(%arg20 : memref<!tpu.dma_semaphore, #tpu.memory_space<semaphore_mem>>)
    %dma_start3A_225 = arith.constant 1 : i32
    %dma_start3A_226 = arith.constant 128 : i32
    %dma_start3A_227 = tpu.memref_slice %arg16[%dma_start3A_226] : memref<512xf32, #tpu.memory_space<vmem>> -> memref<128xf32, #tpu.memory_space<vmem>>
    %dma_start3A_228 = arith.constant 0 : i32
    %dma_start3A_229 = tpu.memref_slice %arg12[%dma_start3A_225, %dma_start3A_228] : memref<4x128xi32, #tpu.memory_space<vmem>> -> memref<1x128xi32, #tpu.memory_space<vmem>>
    %dma_start3A_230 = tpu.memref_squeeze %dma_start3A_229 : memref<1x128xi32, #tpu.memory_space<vmem>> -> memref<128xi32, #tpu.memory_space<vmem>>
    %dma_start3A_231 = arith.constant 0 : i32
    %dma_start3A_232 = tpu.memref_slice %arg7[%dma_start3A_231] : memref<1000000xf32, #tpu.memory_space<hbm>> -> memref<1000000xf32, #tpu.memory_space<hbm>>
    tpu.enqueue_indirect_dma source(%dma_start3A_232 : memref<1000000xf32, #tpu.memory_space<hbm>>) target(%dma_start3A_227 : memref<128xf32, #tpu.memory_space<vmem>>) offsets(%dma_start3A_230 : memref<128xi32, #tpu.memory_space<vmem>>) semaphore(%arg20 : memref<!tpu.dma_semaphore, #tpu.memory_space<semaphore_mem>>)
    %dma_start3A_233 = arith.constant 2 : i32
    %dma_start3A_234 = arith.constant 256 : i32
    %dma_start3A_235 = arith.constant 0 : i32
    %dma_start3A_236 = tpu.memref_slice %arg13[%dma_start3A_234, %dma_start3A_235] : memref<512x32xf32, #tpu.memory_space<vmem>> -> memref<128x32xf32, #tpu.memory_space<vmem>>
    %dma_start3A_237 = arith.constant 0 : i32
    %dma_start3A_238 = tpu.memref_slice %arg11[%dma_start3A_233, %dma_start3A_237] : memref<4x128xi32, #tpu.memory_space<vmem>> -> memref<1x128xi32, #tpu.memory_space<vmem>>
    %dma_start3A_239 = tpu.memref_squeeze %dma_start3A_238 : memref<1x128xi32, #tpu.memory_space<vmem>> -> memref<128xi32, #tpu.memory_space<vmem>>
    %dma_start3A_240 = arith.constant 0 : i32
    %dma_start3A_241 = arith.constant 0 : i32
    %dma_start3A_242 = tpu.memref_slice %arg4[%dma_start3A_240, %dma_start3A_241] : memref<1000000x32xf32, #tpu.memory_space<hbm>> -> memref<1000000x32xf32, #tpu.memory_space<hbm>>
    tpu.enqueue_indirect_dma source(%dma_start3A_242 : memref<1000000x32xf32, #tpu.memory_space<hbm>>) target(%dma_start3A_236 : memref<128x32xf32, #tpu.memory_space<vmem>>) offsets(%dma_start3A_239 : memref<128xi32, #tpu.memory_space<vmem>>) semaphore(%arg20 : memref<!tpu.dma_semaphore, #tpu.memory_space<semaphore_mem>>)
    %dma_start3A_243 = arith.constant 2 : i32
    %dma_start3A_244 = arith.constant 256 : i32
    %dma_start3A_245 = arith.constant 0 : i32
    %dma_start3A_246 = tpu.memref_slice %arg14[%dma_start3A_244, %dma_start3A_245] : memref<512x32xf32, #tpu.memory_space<vmem>> -> memref<128x32xf32, #tpu.memory_space<vmem>>
    %dma_start3A_247 = arith.constant 0 : i32
    %dma_start3A_248 = tpu.memref_slice %arg12[%dma_start3A_243, %dma_start3A_247] : memref<4x128xi32, #tpu.memory_space<vmem>> -> memref<1x128xi32, #tpu.memory_space<vmem>>
    %dma_start3A_249 = tpu.memref_squeeze %dma_start3A_248 : memref<1x128xi32, #tpu.memory_space<vmem>> -> memref<128xi32, #tpu.memory_space<vmem>>
    %dma_start3A_250 = arith.constant 0 : i32
    %dma_start3A_251 = arith.constant 0 : i32
    %dma_start3A_252 = tpu.memref_slice %arg5[%dma_start3A_250, %dma_start3A_251] : memref<1000000x32xf32, #tpu.memory_space<hbm>> -> memref<1000000x32xf32, #tpu.memory_space<hbm>>
    tpu.enqueue_indirect_dma source(%dma_start3A_252 : memref<1000000x32xf32, #tpu.memory_space<hbm>>) target(%dma_start3A_246 : memref<128x32xf32, #tpu.memory_space<vmem>>) offsets(%dma_start3A_249 : memref<128xi32, #tpu.memory_space<vmem>>) semaphore(%arg20 : memref<!tpu.dma_semaphore, #tpu.memory_space<semaphore_mem>>)
    %dma_start3A_253 = arith.constant 2 : i32
    %dma_start3A_254 = arith.constant 256 : i32
    %dma_start3A_255 = tpu.memref_slice %arg15[%dma_start3A_254] : memref<512xf32, #tpu.memory_space<vmem>> -> memref<128xf32, #tpu.memory_space<vmem>>
    %dma_start3A_256 = arith.constant 0 : i32
    %dma_start3A_257 = tpu.memref_slice %arg11[%dma_start3A_253, %dma_start3A_256] : memref<4x128xi32, #tpu.memory_space<vmem>> -> memref<1x128xi32, #tpu.memory_space<vmem>>
    %dma_start3A_258 = tpu.memref_squeeze %dma_start3A_257 : memref<1x128xi32, #tpu.memory_space<vmem>> -> memref<128xi32, #tpu.memory_space<vmem>>
    %dma_start3A_259 = arith.constant 0 : i32
    %dma_start3A_260 = tpu.memref_slice %arg6[%dma_start3A_259] : memref<1000000xf32, #tpu.memory_space<hbm>> -> memref<1000000xf32, #tpu.memory_space<hbm>>
    tpu.enqueue_indirect_dma source(%dma_start3A_260 : memref<1000000xf32, #tpu.memory_space<hbm>>) target(%dma_start3A_255 : memref<128xf32, #tpu.memory_space<vmem>>) offsets(%dma_start3A_258 : memref<128xi32, #tpu.memory_space<vmem>>) semaphore(%arg20 : memref<!tpu.dma_semaphore, #tpu.memory_space<semaphore_mem>>)
    %dma_start3A_261 = arith.constant 2 : i32
    %dma_start3A_262 = arith.constant 256 : i32
    %dma_start3A_263 = tpu.memref_slice %arg16[%dma_start3A_262] : memref<512xf32, #tpu.memory_space<vmem>> -> memref<128xf32, #tpu.memory_space<vmem>>
    %dma_start3A_264 = arith.constant 0 : i32
    %dma_start3A_265 = tpu.memref_slice %arg12[%dma_start3A_261, %dma_start3A_264] : memref<4x128xi32, #tpu.memory_space<vmem>> -> memref<1x128xi32, #tpu.memory_space<vmem>>
    %dma_start3A_266 = tpu.memref_squeeze %dma_start3A_265 : memref<1x128xi32, #tpu.memory_space<vmem>> -> memref<128xi32, #tpu.memory_space<vmem>>
    %dma_start3A_267 = arith.constant 0 : i32
    %dma_start3A_268 = tpu.memref_slice %arg7[%dma_start3A_267] : memref<1000000xf32, #tpu.memory_space<hbm>> -> memref<1000000xf32, #tpu.memory_space<hbm>>
    tpu.enqueue_indirect_dma source(%dma_start3A_268 : memref<1000000xf32, #tpu.memory_space<hbm>>) target(%dma_start3A_263 : memref<128xf32, #tpu.memory_space<vmem>>) offsets(%dma_start3A_266 : memref<128xi32, #tpu.memory_space<vmem>>) semaphore(%arg20 : memref<!tpu.dma_semaphore, #tpu.memory_space<semaphore_mem>>)
    %dma_start3A_269 = arith.constant 3 : i32
    %dma_start3A_270 = arith.constant 384 : i32
    %dma_start3A_271 = arith.constant 0 : i32
    %dma_start3A_272 = tpu.memref_slice %arg13[%dma_start3A_270, %dma_start3A_271] : memref<512x32xf32, #tpu.memory_space<vmem>> -> memref<128x32xf32, #tpu.memory_space<vmem>>
    %dma_start3A_273 = arith.constant 0 : i32
    %dma_start3A_274 = tpu.memref_slice %arg11[%dma_start3A_269, %dma_start3A_273] : memref<4x128xi32, #tpu.memory_space<vmem>> -> memref<1x128xi32, #tpu.memory_space<vmem>>
    %dma_start3A_275 = tpu.memref_squeeze %dma_start3A_274 : memref<1x128xi32, #tpu.memory_space<vmem>> -> memref<128xi32, #tpu.memory_space<vmem>>
    %dma_start3A_276 = arith.constant 0 : i32
    %dma_start3A_277 = arith.constant 0 : i32
    %dma_start3A_278 = tpu.memref_slice %arg4[%dma_start3A_276, %dma_start3A_277] : memref<1000000x32xf32, #tpu.memory_space<hbm>> -> memref<1000000x32xf32, #tpu.memory_space<hbm>>
    tpu.enqueue_indirect_dma source(%dma_start3A_278 : memref<1000000x32xf32, #tpu.memory_space<hbm>>) target(%dma_start3A_272 : memref<128x32xf32, #tpu.memory_space<vmem>>) offsets(%dma_start3A_275 : memref<128xi32, #tpu.memory_space<vmem>>) semaphore(%arg20 : memref<!tpu.dma_semaphore, #tpu.memory_space<semaphore_mem>>)
    %dma_start3A_279 = arith.constant 3 : i32
    %dma_start3A_280 = arith.constant 384 : i32
    %dma_start3A_281 = arith.constant 0 : i32
    %dma_start3A_282 = tpu.memref_slice %arg14[%dma_start3A_280, %dma_start3A_281] : memref<512x32xf32, #tpu.memory_space<vmem>> -> memref<128x32xf32, #tpu.memory_space<vmem>>
    %dma_start3A_283 = arith.constant 0 : i32
    %dma_start3A_284 = tpu.memref_slice %arg12[%dma_start3A_279, %dma_start3A_283] : memref<4x128xi32, #tpu.memory_space<vmem>> -> memref<1x128xi32, #tpu.memory_space<vmem>>
    %dma_start3A_285 = tpu.memref_squeeze %dma_start3A_284 : memref<1x128xi32, #tpu.memory_space<vmem>> -> memref<128xi32, #tpu.memory_space<vmem>>
    %dma_start3A_286 = arith.constant 0 : i32
    %dma_start3A_287 = arith.constant 0 : i32
    %dma_start3A_288 = tpu.memref_slice %arg5[%dma_start3A_286, %dma_start3A_287] : memref<1000000x32xf32, #tpu.memory_space<hbm>> -> memref<1000000x32xf32, #tpu.memory_space<hbm>>
    tpu.enqueue_indirect_dma source(%dma_start3A_288 : memref<1000000x32xf32, #tpu.memory_space<hbm>>) target(%dma_start3A_282 : memref<128x32xf32, #tpu.memory_space<vmem>>) offsets(%dma_start3A_285 : memref<128xi32, #tpu.memory_space<vmem>>) semaphore(%arg20 : memref<!tpu.dma_semaphore, #tpu.memory_space<semaphore_mem>>)
    %dma_start3A_289 = arith.constant 3 : i32
    %dma_start3A_290 = arith.constant 384 : i32
    %dma_start3A_291 = tpu.memref_slice %arg15[%dma_start3A_290] : memref<512xf32, #tpu.memory_space<vmem>> -> memref<128xf32, #tpu.memory_space<vmem>>
    %dma_start3A_292 = arith.constant 0 : i32
    %dma_start3A_293 = tpu.memref_slice %arg11[%dma_start3A_289, %dma_start3A_292] : memref<4x128xi32, #tpu.memory_space<vmem>> -> memref<1x128xi32, #tpu.memory_space<vmem>>
    %dma_start3A_294 = tpu.memref_squeeze %dma_start3A_293 : memref<1x128xi32, #tpu.memory_space<vmem>> -> memref<128xi32, #tpu.memory_space<vmem>>
    %dma_start3A_295 = arith.constant 0 : i32
    %dma_start3A_296 = tpu.memref_slice %arg6[%dma_start3A_295] : memref<1000000xf32, #tpu.memory_space<hbm>> -> memref<1000000xf32, #tpu.memory_space<hbm>>
    tpu.enqueue_indirect_dma source(%dma_start3A_296 : memref<1000000xf32, #tpu.memory_space<hbm>>) target(%dma_start3A_291 : memref<128xf32, #tpu.memory_space<vmem>>) offsets(%dma_start3A_294 : memref<128xi32, #tpu.memory_space<vmem>>) semaphore(%arg20 : memref<!tpu.dma_semaphore, #tpu.memory_space<semaphore_mem>>)
    %dma_start3A_297 = arith.constant 3 : i32
    %dma_start3A_298 = arith.constant 384 : i32
    %dma_start3A_299 = tpu.memref_slice %arg16[%dma_start3A_298] : memref<512xf32, #tpu.memory_space<vmem>> -> memref<128xf32, #tpu.memory_space<vmem>>
    %dma_start3A_300 = arith.constant 0 : i32
    %dma_start3A_301 = tpu.memref_slice %arg12[%dma_start3A_297, %dma_start3A_300] : memref<4x128xi32, #tpu.memory_space<vmem>> -> memref<1x128xi32, #tpu.memory_space<vmem>>
    %dma_start3A_302 = tpu.memref_squeeze %dma_start3A_301 : memref<1x128xi32, #tpu.memory_space<vmem>> -> memref<128xi32, #tpu.memory_space<vmem>>
    %dma_start3A_303 = arith.constant 0 : i32
    %dma_start3A_304 = tpu.memref_slice %arg7[%dma_start3A_303] : memref<1000000xf32, #tpu.memory_space<hbm>> -> memref<1000000xf32, #tpu.memory_space<hbm>>
    tpu.enqueue_indirect_dma source(%dma_start3A_304 : memref<1000000xf32, #tpu.memory_space<hbm>>) target(%dma_start3A_299 : memref<128xf32, #tpu.memory_space<vmem>>) offsets(%dma_start3A_302 : memref<128xi32, #tpu.memory_space<vmem>>) semaphore(%arg20 : memref<!tpu.dma_semaphore, #tpu.memory_space<semaphore_mem>>)
    %dma_wait3A_305 = arith.constant 0 : i32
    %dma_wait3A_306 = arith.constant 0 : i32
    %dma_wait3A_307 = arith.constant 0 : i32
    %dma_wait3A_308 = tpu.memref_slice %arg13[%dma_wait3A_306, %dma_wait3A_307] : memref<512x32xf32, #tpu.memory_space<vmem>> -> memref<128x32xf32, #tpu.memory_space<vmem>>
    %dma_wait3A_309 = arith.constant 0 : i32
    %dma_wait3A_310 = tpu.memref_slice %arg11[%dma_wait3A_305, %dma_wait3A_309] : memref<4x128xi32, #tpu.memory_space<vmem>> -> memref<1x128xi32, #tpu.memory_space<vmem>>
    %dma_wait3A_311 = tpu.memref_squeeze %dma_wait3A_310 : memref<1x128xi32, #tpu.memory_space<vmem>> -> memref<128xi32, #tpu.memory_space<vmem>>
    %dma_wait3A_312 = arith.constant 0 : i32
    %dma_wait3A_313 = arith.constant 0 : i32
    %dma_wait3A_314 = tpu.memref_slice %arg4[%dma_wait3A_312, %dma_wait3A_313] : memref<1000000x32xf32, #tpu.memory_space<hbm>> -> memref<1000000x32xf32, #tpu.memory_space<hbm>>
    tpu.wait_indirect_dma semaphore(%arg20 : memref<!tpu.dma_semaphore, #tpu.memory_space<semaphore_mem>>) src(%dma_wait3A_314 : memref<1000000x32xf32, #tpu.memory_space<hbm>>) dst(%dma_wait3A_308 : memref<128x32xf32, #tpu.memory_space<vmem>>)
    %dma_wait3A_315 = arith.constant 0 : i32
    %dma_wait3A_316 = arith.constant 0 : i32
    %dma_wait3A_317 = arith.constant 0 : i32
    %dma_wait3A_318 = tpu.memref_slice %arg14[%dma_wait3A_316, %dma_wait3A_317] : memref<512x32xf32, #tpu.memory_space<vmem>> -> memref<128x32xf32, #tpu.memory_space<vmem>>
    %dma_wait3A_319 = arith.constant 0 : i32
    %dma_wait3A_320 = tpu.memref_slice %arg12[%dma_wait3A_315, %dma_wait3A_319] : memref<4x128xi32, #tpu.memory_space<vmem>> -> memref<1x128xi32, #tpu.memory_space<vmem>>
    %dma_wait3A_321 = tpu.memref_squeeze %dma_wait3A_320 : memref<1x128xi32, #tpu.memory_space<vmem>> -> memref<128xi32, #tpu.memory_space<vmem>>
    %dma_wait3A_322 = arith.constant 0 : i32
    %dma_wait3A_323 = arith.constant 0 : i32
    %dma_wait3A_324 = tpu.memref_slice %arg5[%dma_wait3A_322, %dma_wait3A_323] : memref<1000000x32xf32, #tpu.memory_space<hbm>> -> memref<1000000x32xf32, #tpu.memory_space<hbm>>
    tpu.wait_indirect_dma semaphore(%arg20 : memref<!tpu.dma_semaphore, #tpu.memory_space<semaphore_mem>>) src(%dma_wait3A_324 : memref<1000000x32xf32, #tpu.memory_space<hbm>>) dst(%dma_wait3A_318 : memref<128x32xf32, #tpu.memory_space<vmem>>)
    %dma_wait3A_325 = arith.constant 0 : i32
    %dma_wait3A_326 = arith.constant 0 : i32
    %dma_wait3A_327 = tpu.memref_slice %arg15[%dma_wait3A_326] : memref<512xf32, #tpu.memory_space<vmem>> -> memref<128xf32, #tpu.memory_space<vmem>>
    %dma_wait3A_328 = arith.constant 0 : i32
    %dma_wait3A_329 = tpu.memref_slice %arg11[%dma_wait3A_325, %dma_wait3A_328] : memref<4x128xi32, #tpu.memory_space<vmem>> -> memref<1x128xi32, #tpu.memory_space<vmem>>
    %dma_wait3A_330 = tpu.memref_squeeze %dma_wait3A_329 : memref<1x128xi32, #tpu.memory_space<vmem>> -> memref<128xi32, #tpu.memory_space<vmem>>
    %dma_wait3A_331 = arith.constant 0 : i32
    %dma_wait3A_332 = tpu.memref_slice %arg6[%dma_wait3A_331] : memref<1000000xf32, #tpu.memory_space<hbm>> -> memref<1000000xf32, #tpu.memory_space<hbm>>
    tpu.wait_indirect_dma semaphore(%arg20 : memref<!tpu.dma_semaphore, #tpu.memory_space<semaphore_mem>>) src(%dma_wait3A_332 : memref<1000000xf32, #tpu.memory_space<hbm>>) dst(%dma_wait3A_327 : memref<128xf32, #tpu.memory_space<vmem>>)
    %dma_wait3A_333 = arith.constant 0 : i32
    %dma_wait3A_334 = arith.constant 0 : i32
    %dma_wait3A_335 = tpu.memref_slice %arg16[%dma_wait3A_334] : memref<512xf32, #tpu.memory_space<vmem>> -> memref<128xf32, #tpu.memory_space<vmem>>
    %dma_wait3A_336 = arith.constant 0 : i32
    %dma_wait3A_337 = tpu.memref_slice %arg12[%dma_wait3A_333, %dma_wait3A_336] : memref<4x128xi32, #tpu.memory_space<vmem>> -> memref<1x128xi32, #tpu.memory_space<vmem>>
    %dma_wait3A_338 = tpu.memref_squeeze %dma_wait3A_337 : memref<1x128xi32, #tpu.memory_space<vmem>> -> memref<128xi32, #tpu.memory_space<vmem>>
    %dma_wait3A_339 = arith.constant 0 : i32
    %dma_wait3A_340 = tpu.memref_slice %arg7[%dma_wait3A_339] : memref<1000000xf32, #tpu.memory_space<hbm>> -> memref<1000000xf32, #tpu.memory_space<hbm>>
    tpu.wait_indirect_dma semaphore(%arg20 : memref<!tpu.dma_semaphore, #tpu.memory_space<semaphore_mem>>) src(%dma_wait3A_340 : memref<1000000xf32, #tpu.memory_space<hbm>>) dst(%dma_wait3A_335 : memref<128xf32, #tpu.memory_space<vmem>>)
    %dma_wait3A_341 = arith.constant 1 : i32
    %dma_wait3A_342 = arith.constant 128 : i32
    %dma_wait3A_343 = arith.constant 0 : i32
    %dma_wait3A_344 = tpu.memref_slice %arg13[%dma_wait3A_342, %dma_wait3A_343] : memref<512x32xf32, #tpu.memory_space<vmem>> -> memref<128x32xf32, #tpu.memory_space<vmem>>
    %dma_wait3A_345 = arith.constant 0 : i32
    %dma_wait3A_346 = tpu.memref_slice %arg11[%dma_wait3A_341, %dma_wait3A_345] : memref<4x128xi32, #tpu.memory_space<vmem>> -> memref<1x128xi32, #tpu.memory_space<vmem>>
    %dma_wait3A_347 = tpu.memref_squeeze %dma_wait3A_346 : memref<1x128xi32, #tpu.memory_space<vmem>> -> memref<128xi32, #tpu.memory_space<vmem>>
    %dma_wait3A_348 = arith.constant 0 : i32
    %dma_wait3A_349 = arith.constant 0 : i32
    %dma_wait3A_350 = tpu.memref_slice %arg4[%dma_wait3A_348, %dma_wait3A_349] : memref<1000000x32xf32, #tpu.memory_space<hbm>> -> memref<1000000x32xf32, #tpu.memory_space<hbm>>
    tpu.wait_indirect_dma semaphore(%arg20 : memref<!tpu.dma_semaphore, #tpu.memory_space<semaphore_mem>>) src(%dma_wait3A_350 : memref<1000000x32xf32, #tpu.memory_space<hbm>>) dst(%dma_wait3A_344 : memref<128x32xf32, #tpu.memory_space<vmem>>)
    %dma_wait3A_351 = arith.constant 1 : i32
    %dma_wait3A_352 = arith.constant 128 : i32
    %dma_wait3A_353 = arith.constant 0 : i32
    %dma_wait3A_354 = tpu.memref_slice %arg14[%dma_wait3A_352, %dma_wait3A_353] : memref<512x32xf32, #tpu.memory_space<vmem>> -> memref<128x32xf32, #tpu.memory_space<vmem>>
    %dma_wait3A_355 = arith.constant 0 : i32
    %dma_wait3A_356 = tpu.memref_slice %arg12[%dma_wait3A_351, %dma_wait3A_355] : memref<4x128xi32, #tpu.memory_space<vmem>> -> memref<1x128xi32, #tpu.memory_space<vmem>>
    %dma_wait3A_357 = tpu.memref_squeeze %dma_wait3A_356 : memref<1x128xi32, #tpu.memory_space<vmem>> -> memref<128xi32, #tpu.memory_space<vmem>>
    %dma_wait3A_358 = arith.constant 0 : i32
    %dma_wait3A_359 = arith.constant 0 : i32
    %dma_wait3A_360 = tpu.memref_slice %arg5[%dma_wait3A_358, %dma_wait3A_359] : memref<1000000x32xf32, #tpu.memory_space<hbm>> -> memref<1000000x32xf32, #tpu.memory_space<hbm>>
    tpu.wait_indirect_dma semaphore(%arg20 : memref<!tpu.dma_semaphore, #tpu.memory_space<semaphore_mem>>) src(%dma_wait3A_360 : memref<1000000x32xf32, #tpu.memory_space<hbm>>) dst(%dma_wait3A_354 : memref<128x32xf32, #tpu.memory_space<vmem>>)
    %dma_wait3A_361 = arith.constant 1 : i32
    %dma_wait3A_362 = arith.constant 128 : i32
    %dma_wait3A_363 = tpu.memref_slice %arg15[%dma_wait3A_362] : memref<512xf32, #tpu.memory_space<vmem>> -> memref<128xf32, #tpu.memory_space<vmem>>
    %dma_wait3A_364 = arith.constant 0 : i32
    %dma_wait3A_365 = tpu.memref_slice %arg11[%dma_wait3A_361, %dma_wait3A_364] : memref<4x128xi32, #tpu.memory_space<vmem>> -> memref<1x128xi32, #tpu.memory_space<vmem>>
    %dma_wait3A_366 = tpu.memref_squeeze %dma_wait3A_365 : memref<1x128xi32, #tpu.memory_space<vmem>> -> memref<128xi32, #tpu.memory_space<vmem>>
    %dma_wait3A_367 = arith.constant 0 : i32
    %dma_wait3A_368 = tpu.memref_slice %arg6[%dma_wait3A_367] : memref<1000000xf32, #tpu.memory_space<hbm>> -> memref<1000000xf32, #tpu.memory_space<hbm>>
    tpu.wait_indirect_dma semaphore(%arg20 : memref<!tpu.dma_semaphore, #tpu.memory_space<semaphore_mem>>) src(%dma_wait3A_368 : memref<1000000xf32, #tpu.memory_space<hbm>>) dst(%dma_wait3A_363 : memref<128xf32, #tpu.memory_space<vmem>>)
    %dma_wait3A_369 = arith.constant 1 : i32
    %dma_wait3A_370 = arith.constant 128 : i32
    %dma_wait3A_371 = tpu.memref_slice %arg16[%dma_wait3A_370] : memref<512xf32, #tpu.memory_space<vmem>> -> memref<128xf32, #tpu.memory_space<vmem>>
    %dma_wait3A_372 = arith.constant 0 : i32
    %dma_wait3A_373 = tpu.memref_slice %arg12[%dma_wait3A_369, %dma_wait3A_372] : memref<4x128xi32, #tpu.memory_space<vmem>> -> memref<1x128xi32, #tpu.memory_space<vmem>>
    %dma_wait3A_374 = tpu.memref_squeeze %dma_wait3A_373 : memref<1x128xi32, #tpu.memory_space<vmem>> -> memref<128xi32, #tpu.memory_space<vmem>>
    %dma_wait3A_375 = arith.constant 0 : i32
    %dma_wait3A_376 = tpu.memref_slice %arg7[%dma_wait3A_375] : memref<1000000xf32, #tpu.memory_space<hbm>> -> memref<1000000xf32, #tpu.memory_space<hbm>>
    tpu.wait_indirect_dma semaphore(%arg20 : memref<!tpu.dma_semaphore, #tpu.memory_space<semaphore_mem>>) src(%dma_wait3A_376 : memref<1000000xf32, #tpu.memory_space<hbm>>) dst(%dma_wait3A_371 : memref<128xf32, #tpu.memory_space<vmem>>)
    %dma_wait3A_377 = arith.constant 2 : i32
    %dma_wait3A_378 = arith.constant 256 : i32
    %dma_wait3A_379 = arith.constant 0 : i32
    %dma_wait3A_380 = tpu.memref_slice %arg13[%dma_wait3A_378, %dma_wait3A_379] : memref<512x32xf32, #tpu.memory_space<vmem>> -> memref<128x32xf32, #tpu.memory_space<vmem>>
    %dma_wait3A_381 = arith.constant 0 : i32
    %dma_wait3A_382 = tpu.memref_slice %arg11[%dma_wait3A_377, %dma_wait3A_381] : memref<4x128xi32, #tpu.memory_space<vmem>> -> memref<1x128xi32, #tpu.memory_space<vmem>>
    %dma_wait3A_383 = tpu.memref_squeeze %dma_wait3A_382 : memref<1x128xi32, #tpu.memory_space<vmem>> -> memref<128xi32, #tpu.memory_space<vmem>>
    %dma_wait3A_384 = arith.constant 0 : i32
    %dma_wait3A_385 = arith.constant 0 : i32
    %dma_wait3A_386 = tpu.memref_slice %arg4[%dma_wait3A_384, %dma_wait3A_385] : memref<1000000x32xf32, #tpu.memory_space<hbm>> -> memref<1000000x32xf32, #tpu.memory_space<hbm>>
    tpu.wait_indirect_dma semaphore(%arg20 : memref<!tpu.dma_semaphore, #tpu.memory_space<semaphore_mem>>) src(%dma_wait3A_386 : memref<1000000x32xf32, #tpu.memory_space<hbm>>) dst(%dma_wait3A_380 : memref<128x32xf32, #tpu.memory_space<vmem>>)
    %dma_wait3A_387 = arith.constant 2 : i32
    %dma_wait3A_388 = arith.constant 256 : i32
    %dma_wait3A_389 = arith.constant 0 : i32
    %dma_wait3A_390 = tpu.memref_slice %arg14[%dma_wait3A_388, %dma_wait3A_389] : memref<512x32xf32, #tpu.memory_space<vmem>> -> memref<128x32xf32, #tpu.memory_space<vmem>>
    %dma_wait3A_391 = arith.constant 0 : i32
    %dma_wait3A_392 = tpu.memref_slice %arg12[%dma_wait3A_387, %dma_wait3A_391] : memref<4x128xi32, #tpu.memory_space<vmem>> -> memref<1x128xi32, #tpu.memory_space<vmem>>
    %dma_wait3A_393 = tpu.memref_squeeze %dma_wait3A_392 : memref<1x128xi32, #tpu.memory_space<vmem>> -> memref<128xi32, #tpu.memory_space<vmem>>
    %dma_wait3A_394 = arith.constant 0 : i32
    %dma_wait3A_395 = arith.constant 0 : i32
    %dma_wait3A_396 = tpu.memref_slice %arg5[%dma_wait3A_394, %dma_wait3A_395] : memref<1000000x32xf32, #tpu.memory_space<hbm>> -> memref<1000000x32xf32, #tpu.memory_space<hbm>>
    tpu.wait_indirect_dma semaphore(%arg20 : memref<!tpu.dma_semaphore, #tpu.memory_space<semaphore_mem>>) src(%dma_wait3A_396 : memref<1000000x32xf32, #tpu.memory_space<hbm>>) dst(%dma_wait3A_390 : memref<128x32xf32, #tpu.memory_space<vmem>>)
    %dma_wait3A_397 = arith.constant 2 : i32
    %dma_wait3A_398 = arith.constant 256 : i32
    %dma_wait3A_399 = tpu.memref_slice %arg15[%dma_wait3A_398] : memref<512xf32, #tpu.memory_space<vmem>> -> memref<128xf32, #tpu.memory_space<vmem>>
    %dma_wait3A_400 = arith.constant 0 : i32
    %dma_wait3A_401 = tpu.memref_slice %arg11[%dma_wait3A_397, %dma_wait3A_400] : memref<4x128xi32, #tpu.memory_space<vmem>> -> memref<1x128xi32, #tpu.memory_space<vmem>>
    %dma_wait3A_402 = tpu.memref_squeeze %dma_wait3A_401 : memref<1x128xi32, #tpu.memory_space<vmem>> -> memref<128xi32, #tpu.memory_space<vmem>>
    %dma_wait3A_403 = arith.constant 0 : i32
    %dma_wait3A_404 = tpu.memref_slice %arg6[%dma_wait3A_403] : memref<1000000xf32, #tpu.memory_space<hbm>> -> memref<1000000xf32, #tpu.memory_space<hbm>>
    tpu.wait_indirect_dma semaphore(%arg20 : memref<!tpu.dma_semaphore, #tpu.memory_space<semaphore_mem>>) src(%dma_wait3A_404 : memref<1000000xf32, #tpu.memory_space<hbm>>) dst(%dma_wait3A_399 : memref<128xf32, #tpu.memory_space<vmem>>)
    %dma_wait3A_405 = arith.constant 2 : i32
    %dma_wait3A_406 = arith.constant 256 : i32
    %dma_wait3A_407 = tpu.memref_slice %arg16[%dma_wait3A_406] : memref<512xf32, #tpu.memory_space<vmem>> -> memref<128xf32, #tpu.memory_space<vmem>>
    %dma_wait3A_408 = arith.constant 0 : i32
    %dma_wait3A_409 = tpu.memref_slice %arg12[%dma_wait3A_405, %dma_wait3A_408] : memref<4x128xi32, #tpu.memory_space<vmem>> -> memref<1x128xi32, #tpu.memory_space<vmem>>
    %dma_wait3A_410 = tpu.memref_squeeze %dma_wait3A_409 : memref<1x128xi32, #tpu.memory_space<vmem>> -> memref<128xi32, #tpu.memory_space<vmem>>
    %dma_wait3A_411 = arith.constant 0 : i32
    %dma_wait3A_412 = tpu.memref_slice %arg7[%dma_wait3A_411] : memref<1000000xf32, #tpu.memory_space<hbm>> -> memref<1000000xf32, #tpu.memory_space<hbm>>
    tpu.wait_indirect_dma semaphore(%arg20 : memref<!tpu.dma_semaphore, #tpu.memory_space<semaphore_mem>>) src(%dma_wait3A_412 : memref<1000000xf32, #tpu.memory_space<hbm>>) dst(%dma_wait3A_407 : memref<128xf32, #tpu.memory_space<vmem>>)
    %dma_wait3A_413 = arith.constant 3 : i32
    %dma_wait3A_414 = arith.constant 384 : i32
    %dma_wait3A_415 = arith.constant 0 : i32
    %dma_wait3A_416 = tpu.memref_slice %arg13[%dma_wait3A_414, %dma_wait3A_415] : memref<512x32xf32, #tpu.memory_space<vmem>> -> memref<128x32xf32, #tpu.memory_space<vmem>>
    %dma_wait3A_417 = arith.constant 0 : i32
    %dma_wait3A_418 = tpu.memref_slice %arg11[%dma_wait3A_413, %dma_wait3A_417] : memref<4x128xi32, #tpu.memory_space<vmem>> -> memref<1x128xi32, #tpu.memory_space<vmem>>
    %dma_wait3A_419 = tpu.memref_squeeze %dma_wait3A_418 : memref<1x128xi32, #tpu.memory_space<vmem>> -> memref<128xi32, #tpu.memory_space<vmem>>
    %dma_wait3A_420 = arith.constant 0 : i32
    %dma_wait3A_421 = arith.constant 0 : i32
    %dma_wait3A_422 = tpu.memref_slice %arg4[%dma_wait3A_420, %dma_wait3A_421] : memref<1000000x32xf32, #tpu.memory_space<hbm>> -> memref<1000000x32xf32, #tpu.memory_space<hbm>>
    tpu.wait_indirect_dma semaphore(%arg20 : memref<!tpu.dma_semaphore, #tpu.memory_space<semaphore_mem>>) src(%dma_wait3A_422 : memref<1000000x32xf32, #tpu.memory_space<hbm>>) dst(%dma_wait3A_416 : memref<128x32xf32, #tpu.memory_space<vmem>>)
    %dma_wait3A_423 = arith.constant 3 : i32
    %dma_wait3A_424 = arith.constant 384 : i32
    %dma_wait3A_425 = arith.constant 0 : i32
    %dma_wait3A_426 = tpu.memref_slice %arg14[%dma_wait3A_424, %dma_wait3A_425] : memref<512x32xf32, #tpu.memory_space<vmem>> -> memref<128x32xf32, #tpu.memory_space<vmem>>
    %dma_wait3A_427 = arith.constant 0 : i32
    %dma_wait3A_428 = tpu.memref_slice %arg12[%dma_wait3A_423, %dma_wait3A_427] : memref<4x128xi32, #tpu.memory_space<vmem>> -> memref<1x128xi32, #tpu.memory_space<vmem>>
    %dma_wait3A_429 = tpu.memref_squeeze %dma_wait3A_428 : memref<1x128xi32, #tpu.memory_space<vmem>> -> memref<128xi32, #tpu.memory_space<vmem>>
    %dma_wait3A_430 = arith.constant 0 : i32
    %dma_wait3A_431 = arith.constant 0 : i32
    %dma_wait3A_432 = tpu.memref_slice %arg5[%dma_wait3A_430, %dma_wait3A_431] : memref<1000000x32xf32, #tpu.memory_space<hbm>> -> memref<1000000x32xf32, #tpu.memory_space<hbm>>
    tpu.wait_indirect_dma semaphore(%arg20 : memref<!tpu.dma_semaphore, #tpu.memory_space<semaphore_mem>>) src(%dma_wait3A_432 : memref<1000000x32xf32, #tpu.memory_space<hbm>>) dst(%dma_wait3A_426 : memref<128x32xf32, #tpu.memory_space<vmem>>)
    %dma_wait3A_433 = arith.constant 3 : i32
    %dma_wait3A_434 = arith.constant 384 : i32
    %dma_wait3A_435 = tpu.memref_slice %arg15[%dma_wait3A_434] : memref<512xf32, #tpu.memory_space<vmem>> -> memref<128xf32, #tpu.memory_space<vmem>>
    %dma_wait3A_436 = arith.constant 0 : i32
    %dma_wait3A_437 = tpu.memref_slice %arg11[%dma_wait3A_433, %dma_wait3A_436] : memref<4x128xi32, #tpu.memory_space<vmem>> -> memref<1x128xi32, #tpu.memory_space<vmem>>
    %dma_wait3A_438 = tpu.memref_squeeze %dma_wait3A_437 : memref<1x128xi32, #tpu.memory_space<vmem>> -> memref<128xi32, #tpu.memory_space<vmem>>
    %dma_wait3A_439 = arith.constant 0 : i32
    %dma_wait3A_440 = tpu.memref_slice %arg6[%dma_wait3A_439] : memref<1000000xf32, #tpu.memory_space<hbm>> -> memref<1000000xf32, #tpu.memory_space<hbm>>
    tpu.wait_indirect_dma semaphore(%arg20 : memref<!tpu.dma_semaphore, #tpu.memory_space<semaphore_mem>>) src(%dma_wait3A_440 : memref<1000000xf32, #tpu.memory_space<hbm>>) dst(%dma_wait3A_435 : memref<128xf32, #tpu.memory_space<vmem>>)
    %dma_wait3A_441 = arith.constant 3 : i32
    %dma_wait3A_442 = arith.constant 384 : i32
    %dma_wait3A_443 = tpu.memref_slice %arg16[%dma_wait3A_442] : memref<512xf32, #tpu.memory_space<vmem>> -> memref<128xf32, #tpu.memory_space<vmem>>
    %dma_wait3A_444 = arith.constant 0 : i32
    %dma_wait3A_445 = tpu.memref_slice %arg12[%dma_wait3A_441, %dma_wait3A_444] : memref<4x128xi32, #tpu.memory_space<vmem>> -> memref<1x128xi32, #tpu.memory_space<vmem>>
    %dma_wait3A_446 = tpu.memref_squeeze %dma_wait3A_445 : memref<1x128xi32, #tpu.memory_space<vmem>> -> memref<128xi32, #tpu.memory_space<vmem>>
    %dma_wait3A_447 = arith.constant 0 : i32
    %dma_wait3A_448 = tpu.memref_slice %arg7[%dma_wait3A_447] : memref<1000000xf32, #tpu.memory_space<hbm>> -> memref<1000000xf32, #tpu.memory_space<hbm>>
    tpu.wait_indirect_dma semaphore(%arg20 : memref<!tpu.dma_semaphore, #tpu.memory_space<semaphore_mem>>) src(%dma_wait3A_448 : memref<1000000xf32, #tpu.memory_space<hbm>>) dst(%dma_wait3A_443 : memref<128xf32, #tpu.memory_space<vmem>>)
    %iota3A = tpu.iota {dimensions = array<i32: 0>} : vector<16xi32>
    %get3A = arith.constant 0 : index
    %get3A_449 = tpu.vector_load %arg17[%get3A] {strides = array<i32>} : memref<16xf32, #tpu.memory_space<vmem>>, vector<16xf32>,
    %broadcast_in_dim3A = arith.constant 0.000000e+00 : f32
    %broadcast_in_dim3A_450 = vector.broadcast %broadcast_in_dim3A : f32 to vector<16xf32>
    %scan3A = arith.constant 0 : i32
    %scan3A_451 = arith.constant 32 : i32
    %scan3A_452 = arith.addi %scan3A, %scan3A_451 : i32
    %scan3A_453 = arith.constant 1 : i32
    %scan3A_454 = scf.for %scan3A_457 = %scan3A to %scan3A_452 step %scan3A_453 iter_args(%scan3A_458 = %broadcast_in_dim3A_450) -> (vector<16xf32>)  : i32 {
      %mul3A_459 = arith.constant 16 : i32
      %mul3A_460 = arith.muli %scan3A_457, %mul3A_459 : i32
      %add3A_461 = vector.broadcast %mul3A_460 : i32 to vector<16xi32>
      %add3A_462 = arith.addi %add3A_461, %iota3A : vector<16xi32>
      %broadcast_in_dim3A_463 = arith.constant 0.000000e+00 : f32
      %broadcast_in_dim3A_464 = vector.broadcast %broadcast_in_dim3A_463 : f32 to vector<16xf32>
      %add3A_465 = arith.constant 0 : i32
      %add3A_466 = vector.broadcast %add3A_465 : i32 to vector<16xi32>
      %add3A_467 = arith.addi %iota3A, %add3A_466 : vector<16xi32>
      %and3A = arith.constant 31 : i32
      %and3A_468 = vector.broadcast %and3A : i32 to vector<16xi32>
      %and3A_469 = arith.andi %add3A_467, %and3A_468 : vector<16xi32>
      %gather3A = tpu.vector_load_idx %arg13[%add3A_462, %and3A_469] : memref<512x32xf32, #tpu.memory_space<vmem>>[vector<16xi32>, vector<16xi32>], vector<16xf32>,
      %gather3A_470 = tpu.vector_load_idx %arg14[%add3A_462, %and3A_469] : memref<512x32xf32, #tpu.memory_space<vmem>>[vector<16xi32>, vector<16xi32>], vector<16xf32>,
      %mul3A_471 = arith.mulf %gather3A, %gather3A_470 : vector<16xf32>
      %add3A_472 = arith.addf %broadcast_in_dim3A_464, %mul3A_471 : vector<16xf32>
      %mul3A_473 = arith.mulf %gather3A, %gather3A : vector<16xf32>
      %add3A_474 = arith.addf %scan3A_458, %mul3A_473 : vector<16xf32>
      %mul3A_475 = arith.mulf %gather3A_470, %gather3A_470 : vector<16xf32>
      %add3A_476 = arith.addf %add3A_474, %mul3A_475 : vector<16xf32>
      %add3A_477 = arith.constant 1 : i32
      %add3A_478 = vector.broadcast %add3A_477 : i32 to vector<16xi32>
      %add3A_479 = arith.addi %iota3A, %add3A_478 : vector<16xi32>
      %and3A_480 = arith.constant 31 : i32
      %and3A_481 = vector.broadcast %and3A_480 : i32 to vector<16xi32>
      %and3A_482 = arith.andi %add3A_479, %and3A_481 : vector<16xi32>
      %gather3A_483 = tpu.vector_load_idx %arg13[%add3A_462, %and3A_482] : memref<512x32xf32, #tpu.memory_space<vmem>>[vector<16xi32>, vector<16xi32>], vector<16xf32>,
      %gather3A_484 = tpu.vector_load_idx %arg14[%add3A_462, %and3A_482] : memref<512x32xf32, #tpu.memory_space<vmem>>[vector<16xi32>, vector<16xi32>], vector<16xf32>,
      %mul3A_485 = arith.mulf %gather3A_483, %gather3A_484 : vector<16xf32>
      %add3A_486 = arith.addf %add3A_472, %mul3A_485 : vector<16xf32>
      %mul3A_487 = arith.mulf %gather3A_483, %gather3A_483 : vector<16xf32>
      %add3A_488 = arith.addf %add3A_476, %mul3A_487 : vector<16xf32>
      %mul3A_489 = arith.mulf %gather3A_484, %gather3A_484 : vector<16xf32>
      %add3A_490 = arith.addf %add3A_488, %mul3A_489 : vector<16xf32>
      %add3A_491 = arith.constant 2 : i32
      %add3A_492 = vector.broadcast %add3A_491 : i32 to vector<16xi32>
      %add3A_493 = arith.addi %iota3A, %add3A_492 : vector<16xi32>
      %and3A_494 = arith.constant 31 : i32
      %and3A_495 = vector.broadcast %and3A_494 : i32 to vector<16xi32>
      %and3A_496 = arith.andi %add3A_493, %and3A_495 : vector<16xi32>
      %gather3A_497 = tpu.vector_load_idx %arg13[%add3A_462, %and3A_496] : memref<512x32xf32, #tpu.memory_space<vmem>>[vector<16xi32>, vector<16xi32>], vector<16xf32>,
      %gather3A_498 = tpu.vector_load_idx %arg14[%add3A_462, %and3A_496] : memref<512x32xf32, #tpu.memory_space<vmem>>[vector<16xi32>, vector<16xi32>], vector<16xf32>,
      %mul3A_499 = arith.mulf %gather3A_497, %gather3A_498 : vector<16xf32>
      %add3A_500 = arith.addf %add3A_486, %mul3A_499 : vector<16xf32>
      %mul3A_501 = arith.mulf %gather3A_497, %gather3A_497 : vector<16xf32>
      %add3A_502 = arith.addf %add3A_490, %mul3A_501 : vector<16xf32>
      %mul3A_503 = arith.mulf %gather3A_498, %gather3A_498 : vector<16xf32>
      %add3A_504 = arith.addf %add3A_502, %mul3A_503 : vector<16xf32>
      %add3A_505 = arith.constant 3 : i32
      %add3A_506 = vector.broadcast %add3A_505 : i32 to vector<16xi32>
      %add3A_507 = arith.addi %iota3A, %add3A_506 : vector<16xi32>
      %and3A_508 = arith.constant 31 : i32
      %and3A_509 = vector.broadcast %and3A_508 : i32 to vector<16xi32>
      %and3A_510 = arith.andi %add3A_507, %and3A_509 : vector<16xi32>
      %gather3A_511 = tpu.vector_load_idx %arg13[%add3A_462, %and3A_510] : memref<512x32xf32, #tpu.memory_space<vmem>>[vector<16xi32>, vector<16xi32>], vector<16xf32>,
      %gather3A_512 = tpu.vector_load_idx %arg14[%add3A_462, %and3A_510] : memref<512x32xf32, #tpu.memory_space<vmem>>[vector<16xi32>, vector<16xi32>], vector<16xf32>,
      %mul3A_513 = arith.mulf %gather3A_511, %gather3A_512 : vector<16xf32>
      %add3A_514 = arith.addf %add3A_500, %mul3A_513 : vector<16xf32>
      %mul3A_515 = arith.mulf %gather3A_511, %gather3A_511 : vector<16xf32>
      %add3A_516 = arith.addf %add3A_504, %mul3A_515 : vector<16xf32>
      %mul3A_517 = arith.mulf %gather3A_512, %gather3A_512 : vector<16xf32>
      %add3A_518 = arith.addf %add3A_516, %mul3A_517 : vector<16xf32>
      %add3A_519 = arith.constant 4 : i32
      %add3A_520 = vector.broadcast %add3A_519 : i32 to vector<16xi32>
      %add3A_521 = arith.addi %iota3A, %add3A_520 : vector<16xi32>
      %and3A_522 = arith.constant 31 : i32
      %and3A_523 = vector.broadcast %and3A_522 : i32 to vector<16xi32>
      %and3A_524 = arith.andi %add3A_521, %and3A_523 : vector<16xi32>
      %gather3A_525 = tpu.vector_load_idx %arg13[%add3A_462, %and3A_524] : memref<512x32xf32, #tpu.memory_space<vmem>>[vector<16xi32>, vector<16xi32>], vector<16xf32>,
      %gather3A_526 = tpu.vector_load_idx %arg14[%add3A_462, %and3A_524] : memref<512x32xf32, #tpu.memory_space<vmem>>[vector<16xi32>, vector<16xi32>], vector<16xf32>,
      %mul3A_527 = arith.mulf %gather3A_525, %gather3A_526 : vector<16xf32>
      %add3A_528 = arith.addf %add3A_514, %mul3A_527 : vector<16xf32>
      %mul3A_529 = arith.mulf %gather3A_525, %gather3A_525 : vector<16xf32>
      %add3A_530 = arith.addf %add3A_518, %mul3A_529 : vector<16xf32>
      %mul3A_531 = arith.mulf %gather3A_526, %gather3A_526 : vector<16xf32>
      %add3A_532 = arith.addf %add3A_530, %mul3A_531 : vector<16xf32>
      %add3A_533 = arith.constant 5 : i32
      %add3A_534 = vector.broadcast %add3A_533 : i32 to vector<16xi32>
      %add3A_535 = arith.addi %iota3A, %add3A_534 : vector<16xi32>
      %and3A_536 = arith.constant 31 : i32
      %and3A_537 = vector.broadcast %and3A_536 : i32 to vector<16xi32>
      %and3A_538 = arith.andi %add3A_535, %and3A_537 : vector<16xi32>
      %gather3A_539 = tpu.vector_load_idx %arg13[%add3A_462, %and3A_538] : memref<512x32xf32, #tpu.memory_space<vmem>>[vector<16xi32>, vector<16xi32>], vector<16xf32>,
      %gather3A_540 = tpu.vector_load_idx %arg14[%add3A_462, %and3A_538] : memref<512x32xf32, #tpu.memory_space<vmem>>[vector<16xi32>, vector<16xi32>], vector<16xf32>,
      %mul3A_541 = arith.mulf %gather3A_539, %gather3A_540 : vector<16xf32>
      %add3A_542 = arith.addf %add3A_528, %mul3A_541 : vector<16xf32>
      %mul3A_543 = arith.mulf %gather3A_539, %gather3A_539 : vector<16xf32>
      %add3A_544 = arith.addf %add3A_532, %mul3A_543 : vector<16xf32>
      %mul3A_545 = arith.mulf %gather3A_540, %gather3A_540 : vector<16xf32>
      %add3A_546 = arith.addf %add3A_544, %mul3A_545 : vector<16xf32>
      %add3A_547 = arith.constant 6 : i32
      %add3A_548 = vector.broadcast %add3A_547 : i32 to vector<16xi32>
      %add3A_549 = arith.addi %iota3A, %add3A_548 : vector<16xi32>
      %and3A_550 = arith.constant 31 : i32
      %and3A_551 = vector.broadcast %and3A_550 : i32 to vector<16xi32>
      %and3A_552 = arith.andi %add3A_549, %and3A_551 : vector<16xi32>
      %gather3A_553 = tpu.vector_load_idx %arg13[%add3A_462, %and3A_552] : memref<512x32xf32, #tpu.memory_space<vmem>>[vector<16xi32>, vector<16xi32>], vector<16xf32>,
      %gather3A_554 = tpu.vector_load_idx %arg14[%add3A_462, %and3A_552] : memref<512x32xf32, #tpu.memory_space<vmem>>[vector<16xi32>, vector<16xi32>], vector<16xf32>,
      %mul3A_555 = arith.mulf %gather3A_553, %gather3A_554 : vector<16xf32>
      %add3A_556 = arith.addf %add3A_542, %mul3A_555 : vector<16xf32>
      %mul3A_557 = arith.mulf %gather3A_553, %gather3A_553 : vector<16xf32>
      %add3A_558 = arith.addf %add3A_546, %mul3A_557 : vector<16xf32>
      %mul3A_559 = arith.mulf %gather3A_554, %gather3A_554 : vector<16xf32>
      %add3A_560 = arith.addf %add3A_558, %mul3A_559 : vector<16xf32>
      %add3A_561 = arith.constant 7 : i32
      %add3A_562 = vector.broadcast %add3A_561 : i32 to vector<16xi32>
      %add3A_563 = arith.addi %iota3A, %add3A_562 : vector<16xi32>
      %and3A_564 = arith.constant 31 : i32
      %and3A_565 = vector.broadcast %and3A_564 : i32 to vector<16xi32>
      %and3A_566 = arith.andi %add3A_563, %and3A_565 : vector<16xi32>
      %gather3A_567 = tpu.vector_load_idx %arg13[%add3A_462, %and3A_566] : memref<512x32xf32, #tpu.memory_space<vmem>>[vector<16xi32>, vector<16xi32>], vector<16xf32>,
      %gather3A_568 = tpu.vector_load_idx %arg14[%add3A_462, %and3A_566] : memref<512x32xf32, #tpu.memory_space<vmem>>[vector<16xi32>, vector<16xi32>], vector<16xf32>,
      %mul3A_569 = arith.mulf %gather3A_567, %gather3A_568 : vector<16xf32>
      %add3A_570 = arith.addf %add3A_556, %mul3A_569 : vector<16xf32>
      %mul3A_571 = arith.mulf %gather3A_567, %gather3A_567 : vector<16xf32>
      %add3A_572 = arith.addf %add3A_560, %mul3A_571 : vector<16xf32>
      %mul3A_573 = arith.mulf %gather3A_568, %gather3A_568 : vector<16xf32>
      %add3A_574 = arith.addf %add3A_572, %mul3A_573 : vector<16xf32>
      %add3A_575 = arith.constant 8 : i32
      %add3A_576 = vector.broadcast %add3A_575 : i32 to vector<16xi32>
      %add3A_577 = arith.addi %iota3A, %add3A_576 : vector<16xi32>
      %and3A_578 = arith.constant 31 : i32
      %and3A_579 = vector.broadcast %and3A_578 : i32 to vector<16xi32>
      %and3A_580 = arith.andi %add3A_577, %and3A_579 : vector<16xi32>
      %gather3A_581 = tpu.vector_load_idx %arg13[%add3A_462, %and3A_580] : memref<512x32xf32, #tpu.memory_space<vmem>>[vector<16xi32>, vector<16xi32>], vector<16xf32>,
      %gather3A_582 = tpu.vector_load_idx %arg14[%add3A_462, %and3A_580] : memref<512x32xf32, #tpu.memory_space<vmem>>[vector<16xi32>, vector<16xi32>], vector<16xf32>,
      %mul3A_583 = arith.mulf %gather3A_581, %gather3A_582 : vector<16xf32>
      %add3A_584 = arith.addf %add3A_570, %mul3A_583 : vector<16xf32>
      %mul3A_585 = arith.mulf %gather3A_581, %gather3A_581 : vector<16xf32>
      %add3A_586 = arith.addf %add3A_574, %mul3A_585 : vector<16xf32>
      %mul3A_587 = arith.mulf %gather3A_582, %gather3A_582 : vector<16xf32>
      %add3A_588 = arith.addf %add3A_586, %mul3A_587 : vector<16xf32>
      %add3A_589 = arith.constant 9 : i32
      %add3A_590 = vector.broadcast %add3A_589 : i32 to vector<16xi32>
      %add3A_591 = arith.addi %iota3A, %add3A_590 : vector<16xi32>
      %and3A_592 = arith.constant 31 : i32
      %and3A_593 = vector.broadcast %and3A_592 : i32 to vector<16xi32>
      %and3A_594 = arith.andi %add3A_591, %and3A_593 : vector<16xi32>
      %gather3A_595 = tpu.vector_load_idx %arg13[%add3A_462, %and3A_594] : memref<512x32xf32, #tpu.memory_space<vmem>>[vector<16xi32>, vector<16xi32>], vector<16xf32>,
      %gather3A_596 = tpu.vector_load_idx %arg14[%add3A_462, %and3A_594] : memref<512x32xf32, #tpu.memory_space<vmem>>[vector<16xi32>, vector<16xi32>], vector<16xf32>,
      %mul3A_597 = arith.mulf %gather3A_595, %gather3A_596 : vector<16xf32>
      %add3A_598 = arith.addf %add3A_584, %mul3A_597 : vector<16xf32>
      %mul3A_599 = arith.mulf %gather3A_595, %gather3A_595 : vector<16xf32>
      %add3A_600 = arith.addf %add3A_588, %mul3A_599 : vector<16xf32>
      %mul3A_601 = arith.mulf %gather3A_596, %gather3A_596 : vector<16xf32>
      %add3A_602 = arith.addf %add3A_600, %mul3A_601 : vector<16xf32>
      %add3A_603 = arith.constant 10 : i32
      %add3A_604 = vector.broadcast %add3A_603 : i32 to vector<16xi32>
      %add3A_605 = arith.addi %iota3A, %add3A_604 : vector<16xi32>
      %and3A_606 = arith.constant 31 : i32
      %and3A_607 = vector.broadcast %and3A_606 : i32 to vector<16xi32>
      %and3A_608 = arith.andi %add3A_605, %and3A_607 : vector<16xi32>
      %gather3A_609 = tpu.vector_load_idx %arg13[%add3A_462, %and3A_608] : memref<512x32xf32, #tpu.memory_space<vmem>>[vector<16xi32>, vector<16xi32>], vector<16xf32>,
      %gather3A_610 = tpu.vector_load_idx %arg14[%add3A_462, %and3A_608] : memref<512x32xf32, #tpu.memory_space<vmem>>[vector<16xi32>, vector<16xi32>], vector<16xf32>,
      %mul3A_611 = arith.mulf %gather3A_609, %gather3A_610 : vector<16xf32>
      %add3A_612 = arith.addf %add3A_598, %mul3A_611 : vector<16xf32>
      %mul3A_613 = arith.mulf %gather3A_609, %gather3A_609 : vector<16xf32>
      %add3A_614 = arith.addf %add3A_602, %mul3A_613 : vector<16xf32>
      %mul3A_615 = arith.mulf %gather3A_610, %gather3A_610 : vector<16xf32>
      %add3A_616 = arith.addf %add3A_614, %mul3A_615 : vector<16xf32>
      %add3A_617 = arith.constant 11 : i32
      %add3A_618 = vector.broadcast %add3A_617 : i32 to vector<16xi32>
      %add3A_619 = arith.addi %iota3A, %add3A_618 : vector<16xi32>
      %and3A_620 = arith.constant 31 : i32
      %and3A_621 = vector.broadcast %and3A_620 : i32 to vector<16xi32>
      %and3A_622 = arith.andi %add3A_619, %and3A_621 : vector<16xi32>
      %gather3A_623 = tpu.vector_load_idx %arg13[%add3A_462, %and3A_622] : memref<512x32xf32, #tpu.memory_space<vmem>>[vector<16xi32>, vector<16xi32>], vector<16xf32>,
      %gather3A_624 = tpu.vector_load_idx %arg14[%add3A_462, %and3A_622] : memref<512x32xf32, #tpu.memory_space<vmem>>[vector<16xi32>, vector<16xi32>], vector<16xf32>,
      %mul3A_625 = arith.mulf %gather3A_623, %gather3A_624 : vector<16xf32>
      %add3A_626 = arith.addf %add3A_612, %mul3A_625 : vector<16xf32>
      %mul3A_627 = arith.mulf %gather3A_623, %gather3A_623 : vector<16xf32>
      %add3A_628 = arith.addf %add3A_616, %mul3A_627 : vector<16xf32>
      %mul3A_629 = arith.mulf %gather3A_624, %gather3A_624 : vector<16xf32>
      %add3A_630 = arith.addf %add3A_628, %mul3A_629 : vector<16xf32>
      %add3A_631 = arith.constant 12 : i32
      %add3A_632 = vector.broadcast %add3A_631 : i32 to vector<16xi32>
      %add3A_633 = arith.addi %iota3A, %add3A_632 : vector<16xi32>
      %and3A_634 = arith.constant 31 : i32
      %and3A_635 = vector.broadcast %and3A_634 : i32 to vector<16xi32>
      %and3A_636 = arith.andi %add3A_633, %and3A_635 : vector<16xi32>
      %gather3A_637 = tpu.vector_load_idx %arg13[%add3A_462, %and3A_636] : memref<512x32xf32, #tpu.memory_space<vmem>>[vector<16xi32>, vector<16xi32>], vector<16xf32>,
      %gather3A_638 = tpu.vector_load_idx %arg14[%add3A_462, %and3A_636] : memref<512x32xf32, #tpu.memory_space<vmem>>[vector<16xi32>, vector<16xi32>], vector<16xf32>,
      %mul3A_639 = arith.mulf %gather3A_637, %gather3A_638 : vector<16xf32>
      %add3A_640 = arith.addf %add3A_626, %mul3A_639 : vector<16xf32>
      %mul3A_641 = arith.mulf %gather3A_637, %gather3A_637 : vector<16xf32>
      %add3A_642 = arith.addf %add3A_630, %mul3A_641 : vector<16xf32>
      %mul3A_643 = arith.mulf %gather3A_638, %gather3A_638 : vector<16xf32>
      %add3A_644 = arith.addf %add3A_642, %mul3A_643 : vector<16xf32>
      %add3A_645 = arith.constant 13 : i32
      %add3A_646 = vector.broadcast %add3A_645 : i32 to vector<16xi32>
      %add3A_647 = arith.addi %iota3A, %add3A_646 : vector<16xi32>
      %and3A_648 = arith.constant 31 : i32
      %and3A_649 = vector.broadcast %and3A_648 : i32 to vector<16xi32>
      %and3A_650 = arith.andi %add3A_647, %and3A_649 : vector<16xi32>
      %gather3A_651 = tpu.vector_load_idx %arg13[%add3A_462, %and3A_650] : memref<512x32xf32, #tpu.memory_space<vmem>>[vector<16xi32>, vector<16xi32>], vector<16xf32>,
      %gather3A_652 = tpu.vector_load_idx %arg14[%add3A_462, %and3A_650] : memref<512x32xf32, #tpu.memory_space<vmem>>[vector<16xi32>, vector<16xi32>], vector<16xf32>,
      %mul3A_653 = arith.mulf %gather3A_651, %gather3A_652 : vector<16xf32>
      %add3A_654 = arith.addf %add3A_640, %mul3A_653 : vector<16xf32>
      %mul3A_655 = arith.mulf %gather3A_651, %gather3A_651 : vector<16xf32>
      %add3A_656 = arith.addf %add3A_644, %mul3A_655 : vector<16xf32>
      %mul3A_657 = arith.mulf %gather3A_652, %gather3A_652 : vector<16xf32>
      %add3A_658 = arith.addf %add3A_656, %mul3A_657 : vector<16xf32>
      %add3A_659 = arith.constant 14 : i32
      %add3A_660 = vector.broadcast %add3A_659 : i32 to vector<16xi32>
      %add3A_661 = arith.addi %iota3A, %add3A_660 : vector<16xi32>
      %and3A_662 = arith.constant 31 : i32
      %and3A_663 = vector.broadcast %and3A_662 : i32 to vector<16xi32>
      %and3A_664 = arith.andi %add3A_661, %and3A_663 : vector<16xi32>
      %gather3A_665 = tpu.vector_load_idx %arg13[%add3A_462, %and3A_664] : memref<512x32xf32, #tpu.memory_space<vmem>>[vector<16xi32>, vector<16xi32>], vector<16xf32>,
      %gather3A_666 = tpu.vector_load_idx %arg14[%add3A_462, %and3A_664] : memref<512x32xf32, #tpu.memory_space<vmem>>[vector<16xi32>, vector<16xi32>], vector<16xf32>,
      %mul3A_667 = arith.mulf %gather3A_665, %gather3A_666 : vector<16xf32>
      %add3A_668 = arith.addf %add3A_654, %mul3A_667 : vector<16xf32>
      %mul3A_669 = arith.mulf %gather3A_665, %gather3A_665 : vector<16xf32>
      %add3A_670 = arith.addf %add3A_658, %mul3A_669 : vector<16xf32>
      %mul3A_671 = arith.mulf %gather3A_666, %gather3A_666 : vector<16xf32>
      %add3A_672 = arith.addf %add3A_670, %mul3A_671 : vector<16xf32>
      %add3A_673 = arith.constant 15 : i32
      %add3A_674 = vector.broadcast %add3A_673 : i32 to vector<16xi32>
      %add3A_675 = arith.addi %iota3A, %add3A_674 : vector<16xi32>
      %and3A_676 = arith.constant 31 : i32
      %and3A_677 = vector.broadcast %and3A_676 : i32 to vector<16xi32>
      %and3A_678 = arith.andi %add3A_675, %and3A_677 : vector<16xi32>
      %gather3A_679 = tpu.vector_load_idx %arg13[%add3A_462, %and3A_678] : memref<512x32xf32, #tpu.memory_space<vmem>>[vector<16xi32>, vector<16xi32>], vector<16xf32>,
      %gather3A_680 = tpu.vector_load_idx %arg14[%add3A_462, %and3A_678] : memref<512x32xf32, #tpu.memory_space<vmem>>[vector<16xi32>, vector<16xi32>], vector<16xf32>,
      %mul3A_681 = arith.mulf %gather3A_679, %gather3A_680 : vector<16xf32>
      %add3A_682 = arith.addf %add3A_668, %mul3A_681 : vector<16xf32>
      %mul3A_683 = arith.mulf %gather3A_679, %gather3A_679 : vector<16xf32>
      %add3A_684 = arith.addf %add3A_672, %mul3A_683 : vector<16xf32>
      %mul3A_685 = arith.mulf %gather3A_680, %gather3A_680 : vector<16xf32>
      %add3A_686 = arith.addf %add3A_684, %mul3A_685 : vector<16xf32>
      %add3A_687 = arith.constant 16 : i32
      %add3A_688 = vector.broadcast %add3A_687 : i32 to vector<16xi32>
      %add3A_689 = arith.addi %iota3A, %add3A_688 : vector<16xi32>
      %and3A_690 = arith.constant 31 : i32
      %and3A_691 = vector.broadcast %and3A_690 : i32 to vector<16xi32>
      %and3A_692 = arith.andi %add3A_689, %and3A_691 : vector<16xi32>
      %gather3A_693 = tpu.vector_load_idx %arg13[%add3A_462, %and3A_692] : memref<512x32xf32, #tpu.memory_space<vmem>>[vector<16xi32>, vector<16xi32>], vector<16xf32>,
      %gather3A_694 = tpu.vector_load_idx %arg14[%add3A_462, %and3A_692] : memref<512x32xf32, #tpu.memory_space<vmem>>[vector<16xi32>, vector<16xi32>], vector<16xf32>,
      %mul3A_695 = arith.mulf %gather3A_693, %gather3A_694 : vector<16xf32>
      %add3A_696 = arith.addf %add3A_682, %mul3A_695 : vector<16xf32>
      %mul3A_697 = arith.mulf %gather3A_693, %gather3A_693 : vector<16xf32>
      %add3A_698 = arith.addf %add3A_686, %mul3A_697 : vector<16xf32>
      %mul3A_699 = arith.mulf %gather3A_694, %gather3A_694 : vector<16xf32>
      %add3A_700 = arith.addf %add3A_698, %mul3A_699 : vector<16xf32>
      %add3A_701 = arith.constant 17 : i32
      %add3A_702 = vector.broadcast %add3A_701 : i32 to vector<16xi32>
      %add3A_703 = arith.addi %iota3A, %add3A_702 : vector<16xi32>
      %and3A_704 = arith.constant 31 : i32
      %and3A_705 = vector.broadcast %and3A_704 : i32 to vector<16xi32>
      %and3A_706 = arith.andi %add3A_703, %and3A_705 : vector<16xi32>
      %gather3A_707 = tpu.vector_load_idx %arg13[%add3A_462, %and3A_706] : memref<512x32xf32, #tpu.memory_space<vmem>>[vector<16xi32>, vector<16xi32>], vector<16xf32>,
      %gather3A_708 = tpu.vector_load_idx %arg14[%add3A_462, %and3A_706] : memref<512x32xf32, #tpu.memory_space<vmem>>[vector<16xi32>, vector<16xi32>], vector<16xf32>,
      %mul3A_709 = arith.mulf %gather3A_707, %gather3A_708 : vector<16xf32>
      %add3A_710 = arith.addf %add3A_696, %mul3A_709 : vector<16xf32>
      %mul3A_711 = arith.mulf %gather3A_707, %gather3A_707 : vector<16xf32>
      %add3A_712 = arith.addf %add3A_700, %mul3A_711 : vector<16xf32>
      %mul3A_713 = arith.mulf %gather3A_708, %gather3A_708 : vector<16xf32>
      %add3A_714 = arith.addf %add3A_712, %mul3A_713 : vector<16xf32>
      %add3A_715 = arith.constant 18 : i32
      %add3A_716 = vector.broadcast %add3A_715 : i32 to vector<16xi32>
      %add3A_717 = arith.addi %iota3A, %add3A_716 : vector<16xi32>
      %and3A_718 = arith.constant 31 : i32
      %and3A_719 = vector.broadcast %and3A_718 : i32 to vector<16xi32>
      %and3A_720 = arith.andi %add3A_717, %and3A_719 : vector<16xi32>
      %gather3A_721 = tpu.vector_load_idx %arg13[%add3A_462, %and3A_720] : memref<512x32xf32, #tpu.memory_space<vmem>>[vector<16xi32>, vector<16xi32>], vector<16xf32>,
      %gather3A_722 = tpu.vector_load_idx %arg14[%add3A_462, %and3A_720] : memref<512x32xf32, #tpu.memory_space<vmem>>[vector<16xi32>, vector<16xi32>], vector<16xf32>,
      %mul3A_723 = arith.mulf %gather3A_721, %gather3A_722 : vector<16xf32>
      %add3A_724 = arith.addf %add3A_710, %mul3A_723 : vector<16xf32>
      %mul3A_725 = arith.mulf %gather3A_721, %gather3A_721 : vector<16xf32>
      %add3A_726 = arith.addf %add3A_714, %mul3A_725 : vector<16xf32>
      %mul3A_727 = arith.mulf %gather3A_722, %gather3A_722 : vector<16xf32>
      %add3A_728 = arith.addf %add3A_726, %mul3A_727 : vector<16xf32>
      %add3A_729 = arith.constant 19 : i32
      %add3A_730 = vector.broadcast %add3A_729 : i32 to vector<16xi32>
      %add3A_731 = arith.addi %iota3A, %add3A_730 : vector<16xi32>
      %and3A_732 = arith.constant 31 : i32
      %and3A_733 = vector.broadcast %and3A_732 : i32 to vector<16xi32>
      %and3A_734 = arith.andi %add3A_731, %and3A_733 : vector<16xi32>
      %gather3A_735 = tpu.vector_load_idx %arg13[%add3A_462, %and3A_734] : memref<512x32xf32, #tpu.memory_space<vmem>>[vector<16xi32>, vector<16xi32>], vector<16xf32>,
      %gather3A_736 = tpu.vector_load_idx %arg14[%add3A_462, %and3A_734] : memref<512x32xf32, #tpu.memory_space<vmem>>[vector<16xi32>, vector<16xi32>], vector<16xf32>,
      %mul3A_737 = arith.mulf %gather3A_735, %gather3A_736 : vector<16xf32>
      %add3A_738 = arith.addf %add3A_724, %mul3A_737 : vector<16xf32>
      %mul3A_739 = arith.mulf %gather3A_735, %gather3A_735 : vector<16xf32>
      %add3A_740 = arith.addf %add3A_728, %mul3A_739 : vector<16xf32>
      %mul3A_741 = arith.mulf %gather3A_736, %gather3A_736 : vector<16xf32>
      %add3A_742 = arith.addf %add3A_740, %mul3A_741 : vector<16xf32>
      %add3A_743 = arith.constant 20 : i32
      %add3A_744 = vector.broadcast %add3A_743 : i32 to vector<16xi32>
      %add3A_745 = arith.addi %iota3A, %add3A_744 : vector<16xi32>
      %and3A_746 = arith.constant 31 : i32
      %and3A_747 = vector.broadcast %and3A_746 : i32 to vector<16xi32>
      %and3A_748 = arith.andi %add3A_745, %and3A_747 : vector<16xi32>
      %gather3A_749 = tpu.vector_load_idx %arg13[%add3A_462, %and3A_748] : memref<512x32xf32, #tpu.memory_space<vmem>>[vector<16xi32>, vector<16xi32>], vector<16xf32>,
      %gather3A_750 = tpu.vector_load_idx %arg14[%add3A_462, %and3A_748] : memref<512x32xf32, #tpu.memory_space<vmem>>[vector<16xi32>, vector<16xi32>], vector<16xf32>,
      %mul3A_751 = arith.mulf %gather3A_749, %gather3A_750 : vector<16xf32>
      %add3A_752 = arith.addf %add3A_738, %mul3A_751 : vector<16xf32>
      %mul3A_753 = arith.mulf %gather3A_749, %gather3A_749 : vector<16xf32>
      %add3A_754 = arith.addf %add3A_742, %mul3A_753 : vector<16xf32>
      %mul3A_755 = arith.mulf %gather3A_750, %gather3A_750 : vector<16xf32>
      %add3A_756 = arith.addf %add3A_754, %mul3A_755 : vector<16xf32>
      %add3A_757 = arith.constant 21 : i32
      %add3A_758 = vector.broadcast %add3A_757 : i32 to vector<16xi32>
      %add3A_759 = arith.addi %iota3A, %add3A_758 : vector<16xi32>
      %and3A_760 = arith.constant 31 : i32
      %and3A_761 = vector.broadcast %and3A_760 : i32 to vector<16xi32>
      %and3A_762 = arith.andi %add3A_759, %and3A_761 : vector<16xi32>
      %gather3A_763 = tpu.vector_load_idx %arg13[%add3A_462, %and3A_762] : memref<512x32xf32, #tpu.memory_space<vmem>>[vector<16xi32>, vector<16xi32>], vector<16xf32>,
      %gather3A_764 = tpu.vector_load_idx %arg14[%add3A_462, %and3A_762] : memref<512x32xf32, #tpu.memory_space<vmem>>[vector<16xi32>, vector<16xi32>], vector<16xf32>,
      %mul3A_765 = arith.mulf %gather3A_763, %gather3A_764 : vector<16xf32>
      %add3A_766 = arith.addf %add3A_752, %mul3A_765 : vector<16xf32>
      %mul3A_767 = arith.mulf %gather3A_763, %gather3A_763 : vector<16xf32>
      %add3A_768 = arith.addf %add3A_756, %mul3A_767 : vector<16xf32>
      %mul3A_769 = arith.mulf %gather3A_764, %gather3A_764 : vector<16xf32>
      %add3A_770 = arith.addf %add3A_768, %mul3A_769 : vector<16xf32>
      %add3A_771 = arith.constant 22 : i32
      %add3A_772 = vector.broadcast %add3A_771 : i32 to vector<16xi32>
      %add3A_773 = arith.addi %iota3A, %add3A_772 : vector<16xi32>
      %and3A_774 = arith.constant 31 : i32
      %and3A_775 = vector.broadcast %and3A_774 : i32 to vector<16xi32>
      %and3A_776 = arith.andi %add3A_773, %and3A_775 : vector<16xi32>
      %gather3A_777 = tpu.vector_load_idx %arg13[%add3A_462, %and3A_776] : memref<512x32xf32, #tpu.memory_space<vmem>>[vector<16xi32>, vector<16xi32>], vector<16xf32>,
      %gather3A_778 = tpu.vector_load_idx %arg14[%add3A_462, %and3A_776] : memref<512x32xf32, #tpu.memory_space<vmem>>[vector<16xi32>, vector<16xi32>], vector<16xf32>,
      %mul3A_779 = arith.mulf %gather3A_777, %gather3A_778 : vector<16xf32>
      %add3A_780 = arith.addf %add3A_766, %mul3A_779 : vector<16xf32>
      %mul3A_781 = arith.mulf %gather3A_777, %gather3A_777 : vector<16xf32>
      %add3A_782 = arith.addf %add3A_770, %mul3A_781 : vector<16xf32>
      %mul3A_783 = arith.mulf %gather3A_778, %gather3A_778 : vector<16xf32>
      %add3A_784 = arith.addf %add3A_782, %mul3A_783 : vector<16xf32>
      %add3A_785 = arith.constant 23 : i32
      %add3A_786 = vector.broadcast %add3A_785 : i32 to vector<16xi32>
      %add3A_787 = arith.addi %iota3A, %add3A_786 : vector<16xi32>
      %and3A_788 = arith.constant 31 : i32
      %and3A_789 = vector.broadcast %and3A_788 : i32 to vector<16xi32>
      %and3A_790 = arith.andi %add3A_787, %and3A_789 : vector<16xi32>
      %gather3A_791 = tpu.vector_load_idx %arg13[%add3A_462, %and3A_790] : memref<512x32xf32, #tpu.memory_space<vmem>>[vector<16xi32>, vector<16xi32>], vector<16xf32>,
      %gather3A_792 = tpu.vector_load_idx %arg14[%add3A_462, %and3A_790] : memref<512x32xf32, #tpu.memory_space<vmem>>[vector<16xi32>, vector<16xi32>], vector<16xf32>,
      %mul3A_793 = arith.mulf %gather3A_791, %gather3A_792 : vector<16xf32>
      %add3A_794 = arith.addf %add3A_780, %mul3A_793 : vector<16xf32>
      %mul3A_795 = arith.mulf %gather3A_791, %gather3A_791 : vector<16xf32>
      %add3A_796 = arith.addf %add3A_784, %mul3A_795 : vector<16xf32>
      %mul3A_797 = arith.mulf %gather3A_792, %gather3A_792 : vector<16xf32>
      %add3A_798 = arith.addf %add3A_796, %mul3A_797 : vector<16xf32>
      %add3A_799 = arith.constant 24 : i32
      %add3A_800 = vector.broadcast %add3A_799 : i32 to vector<16xi32>
      %add3A_801 = arith.addi %iota3A, %add3A_800 : vector<16xi32>
      %and3A_802 = arith.constant 31 : i32
      %and3A_803 = vector.broadcast %and3A_802 : i32 to vector<16xi32>
      %and3A_804 = arith.andi %add3A_801, %and3A_803 : vector<16xi32>
      %gather3A_805 = tpu.vector_load_idx %arg13[%add3A_462, %and3A_804] : memref<512x32xf32, #tpu.memory_space<vmem>>[vector<16xi32>, vector<16xi32>], vector<16xf32>,
      %gather3A_806 = tpu.vector_load_idx %arg14[%add3A_462, %and3A_804] : memref<512x32xf32, #tpu.memory_space<vmem>>[vector<16xi32>, vector<16xi32>], vector<16xf32>,
      %mul3A_807 = arith.mulf %gather3A_805, %gather3A_806 : vector<16xf32>
      %add3A_808 = arith.addf %add3A_794, %mul3A_807 : vector<16xf32>
      %mul3A_809 = arith.mulf %gather3A_805, %gather3A_805 : vector<16xf32>
      %add3A_810 = arith.addf %add3A_798, %mul3A_809 : vector<16xf32>
      %mul3A_811 = arith.mulf %gather3A_806, %gather3A_806 : vector<16xf32>
      %add3A_812 = arith.addf %add3A_810, %mul3A_811 : vector<16xf32>
      %add3A_813 = arith.constant 25 : i32
      %add3A_814 = vector.broadcast %add3A_813 : i32 to vector<16xi32>
      %add3A_815 = arith.addi %iota3A, %add3A_814 : vector<16xi32>
      %and3A_816 = arith.constant 31 : i32
      %and3A_817 = vector.broadcast %and3A_816 : i32 to vector<16xi32>
      %and3A_818 = arith.andi %add3A_815, %and3A_817 : vector<16xi32>
      %gather3A_819 = tpu.vector_load_idx %arg13[%add3A_462, %and3A_818] : memref<512x32xf32, #tpu.memory_space<vmem>>[vector<16xi32>, vector<16xi32>], vector<16xf32>,
      %gather3A_820 = tpu.vector_load_idx %arg14[%add3A_462, %and3A_818] : memref<512x32xf32, #tpu.memory_space<vmem>>[vector<16xi32>, vector<16xi32>], vector<16xf32>,
      %mul3A_821 = arith.mulf %gather3A_819, %gather3A_820 : vector<16xf32>
      %add3A_822 = arith.addf %add3A_808, %mul3A_821 : vector<16xf32>
      %mul3A_823 = arith.mulf %gather3A_819, %gather3A_819 : vector<16xf32>
      %add3A_824 = arith.addf %add3A_812, %mul3A_823 : vector<16xf32>
      %mul3A_825 = arith.mulf %gather3A_820, %gather3A_820 : vector<16xf32>
      %add3A_826 = arith.addf %add3A_824, %mul3A_825 : vector<16xf32>
      %add3A_827 = arith.constant 26 : i32
      %add3A_828 = vector.broadcast %add3A_827 : i32 to vector<16xi32>
      %add3A_829 = arith.addi %iota3A, %add3A_828 : vector<16xi32>
      %and3A_830 = arith.constant 31 : i32
      %and3A_831 = vector.broadcast %and3A_830 : i32 to vector<16xi32>
      %and3A_832 = arith.andi %add3A_829, %and3A_831 : vector<16xi32>
      %gather3A_833 = tpu.vector_load_idx %arg13[%add3A_462, %and3A_832] : memref<512x32xf32, #tpu.memory_space<vmem>>[vector<16xi32>, vector<16xi32>], vector<16xf32>,
      %gather3A_834 = tpu.vector_load_idx %arg14[%add3A_462, %and3A_832] : memref<512x32xf32, #tpu.memory_space<vmem>>[vector<16xi32>, vector<16xi32>], vector<16xf32>,
      %mul3A_835 = arith.mulf %gather3A_833, %gather3A_834 : vector<16xf32>
      %add3A_836 = arith.addf %add3A_822, %mul3A_835 : vector<16xf32>
      %mul3A_837 = arith.mulf %gather3A_833, %gather3A_833 : vector<16xf32>
      %add3A_838 = arith.addf %add3A_826, %mul3A_837 : vector<16xf32>
      %mul3A_839 = arith.mulf %gather3A_834, %gather3A_834 : vector<16xf32>
      %add3A_840 = arith.addf %add3A_838, %mul3A_839 : vector<16xf32>
      %add3A_841 = arith.constant 27 : i32
      %add3A_842 = vector.broadcast %add3A_841 : i32 to vector<16xi32>
      %add3A_843 = arith.addi %iota3A, %add3A_842 : vector<16xi32>
      %and3A_844 = arith.constant 31 : i32
      %and3A_845 = vector.broadcast %and3A_844 : i32 to vector<16xi32>
      %and3A_846 = arith.andi %add3A_843, %and3A_845 : vector<16xi32>
      %gather3A_847 = tpu.vector_load_idx %arg13[%add3A_462, %and3A_846] : memref<512x32xf32, #tpu.memory_space<vmem>>[vector<16xi32>, vector<16xi32>], vector<16xf32>,
      %gather3A_848 = tpu.vector_load_idx %arg14[%add3A_462, %and3A_846] : memref<512x32xf32, #tpu.memory_space<vmem>>[vector<16xi32>, vector<16xi32>], vector<16xf32>,
      %mul3A_849 = arith.mulf %gather3A_847, %gather3A_848 : vector<16xf32>
      %add3A_850 = arith.addf %add3A_836, %mul3A_849 : vector<16xf32>
      %mul3A_851 = arith.mulf %gather3A_847, %gather3A_847 : vector<16xf32>
      %add3A_852 = arith.addf %add3A_840, %mul3A_851 : vector<16xf32>
      %mul3A_853 = arith.mulf %gather3A_848, %gather3A_848 : vector<16xf32>
      %add3A_854 = arith.addf %add3A_852, %mul3A_853 : vector<16xf32>
      %add3A_855 = arith.constant 28 : i32
      %add3A_856 = vector.broadcast %add3A_855 : i32 to vector<16xi32>
      %add3A_857 = arith.addi %iota3A, %add3A_856 : vector<16xi32>
      %and3A_858 = arith.constant 31 : i32
      %and3A_859 = vector.broadcast %and3A_858 : i32 to vector<16xi32>
      %and3A_860 = arith.andi %add3A_857, %and3A_859 : vector<16xi32>
      %gather3A_861 = tpu.vector_load_idx %arg13[%add3A_462, %and3A_860] : memref<512x32xf32, #tpu.memory_space<vmem>>[vector<16xi32>, vector<16xi32>], vector<16xf32>,
      %gather3A_862 = tpu.vector_load_idx %arg14[%add3A_462, %and3A_860] : memref<512x32xf32, #tpu.memory_space<vmem>>[vector<16xi32>, vector<16xi32>], vector<16xf32>,
      %mul3A_863 = arith.mulf %gather3A_861, %gather3A_862 : vector<16xf32>
      %add3A_864 = arith.addf %add3A_850, %mul3A_863 : vector<16xf32>
      %mul3A_865 = arith.mulf %gather3A_861, %gather3A_861 : vector<16xf32>
      %add3A_866 = arith.addf %add3A_854, %mul3A_865 : vector<16xf32>
      %mul3A_867 = arith.mulf %gather3A_862, %gather3A_862 : vector<16xf32>
      %add3A_868 = arith.addf %add3A_866, %mul3A_867 : vector<16xf32>
      %add3A_869 = arith.constant 29 : i32
      %add3A_870 = vector.broadcast %add3A_869 : i32 to vector<16xi32>
      %add3A_871 = arith.addi %iota3A, %add3A_870 : vector<16xi32>
      %and3A_872 = arith.constant 31 : i32
      %and3A_873 = vector.broadcast %and3A_872 : i32 to vector<16xi32>
      %and3A_874 = arith.andi %add3A_871, %and3A_873 : vector<16xi32>
      %gather3A_875 = tpu.vector_load_idx %arg13[%add3A_462, %and3A_874] : memref<512x32xf32, #tpu.memory_space<vmem>>[vector<16xi32>, vector<16xi32>], vector<16xf32>,
      %gather3A_876 = tpu.vector_load_idx %arg14[%add3A_462, %and3A_874] : memref<512x32xf32, #tpu.memory_space<vmem>>[vector<16xi32>, vector<16xi32>], vector<16xf32>,
      %mul3A_877 = arith.mulf %gather3A_875, %gather3A_876 : vector<16xf32>
      %add3A_878 = arith.addf %add3A_864, %mul3A_877 : vector<16xf32>
      %mul3A_879 = arith.mulf %gather3A_875, %gather3A_875 : vector<16xf32>
      %add3A_880 = arith.addf %add3A_868, %mul3A_879 : vector<16xf32>
      %mul3A_881 = arith.mulf %gather3A_876, %gather3A_876 : vector<16xf32>
      %add3A_882 = arith.addf %add3A_880, %mul3A_881 : vector<16xf32>
      %add3A_883 = arith.constant 30 : i32
      %add3A_884 = vector.broadcast %add3A_883 : i32 to vector<16xi32>
      %add3A_885 = arith.addi %iota3A, %add3A_884 : vector<16xi32>
      %and3A_886 = arith.constant 31 : i32
      %and3A_887 = vector.broadcast %and3A_886 : i32 to vector<16xi32>
      %and3A_888 = arith.andi %add3A_885, %and3A_887 : vector<16xi32>
      %gather3A_889 = tpu.vector_load_idx %arg13[%add3A_462, %and3A_888] : memref<512x32xf32, #tpu.memory_space<vmem>>[vector<16xi32>, vector<16xi32>], vector<16xf32>,
      %gather3A_890 = tpu.vector_load_idx %arg14[%add3A_462, %and3A_888] : memref<512x32xf32, #tpu.memory_space<vmem>>[vector<16xi32>, vector<16xi32>], vector<16xf32>,
      %mul3A_891 = arith.mulf %gather3A_889, %gather3A_890 : vector<16xf32>
      %add3A_892 = arith.addf %add3A_878, %mul3A_891 : vector<16xf32>
      %mul3A_893 = arith.mulf %gather3A_889, %gather3A_889 : vector<16xf32>
      %add3A_894 = arith.addf %add3A_882, %mul3A_893 : vector<16xf32>
      %mul3A_895 = arith.mulf %gather3A_890, %gather3A_890 : vector<16xf32>
      %add3A_896 = arith.addf %add3A_894, %mul3A_895 : vector<16xf32>
      %add3A_897 = arith.constant 31 : i32
      %add3A_898 = vector.broadcast %add3A_897 : i32 to vector<16xi32>
      %add3A_899 = arith.addi %iota3A, %add3A_898 : vector<16xi32>
      %and3A_900 = arith.constant 31 : i32
      %and3A_901 = vector.broadcast %and3A_900 : i32 to vector<16xi32>
      %and3A_902 = arith.andi %add3A_899, %and3A_901 : vector<16xi32>
      %gather3A_903 = tpu.vector_load_idx %arg13[%add3A_462, %and3A_902] : memref<512x32xf32, #tpu.memory_space<vmem>>[vector<16xi32>, vector<16xi32>], vector<16xf32>,
      %gather3A_904 = tpu.vector_load_idx %arg14[%add3A_462, %and3A_902] : memref<512x32xf32, #tpu.memory_space<vmem>>[vector<16xi32>, vector<16xi32>], vector<16xf32>,
      %mul3A_905 = arith.mulf %gather3A_903, %gather3A_904 : vector<16xf32>
      %add3A_906 = arith.addf %add3A_892, %mul3A_905 : vector<16xf32>
      %mul3A_907 = arith.mulf %gather3A_903, %gather3A_903 : vector<16xf32>
      %add3A_908 = arith.addf %add3A_896, %mul3A_907 : vector<16xf32>
      %mul3A_909 = arith.mulf %gather3A_904, %gather3A_904 : vector<16xf32>
      %add3A_910 = arith.addf %add3A_908, %mul3A_909 : vector<16xf32>
      %gather3A_911 = tpu.vector_load_idx %arg15[%add3A_462] : memref<512xf32, #tpu.memory_space<vmem>>[vector<16xi32>], vector<16xf32>,
      %gather3A_912 = tpu.vector_load_idx %arg16[%add3A_462] : memref<512xf32, #tpu.memory_space<vmem>>[vector<16xi32>], vector<16xf32>,
      %mul3A_913 = arith.mulf %gather3A_911, %gather3A_911 : vector<16xf32>
      %add3A_914 = arith.addf %add3A_910, %mul3A_913 : vector<16xf32>
      %mul3A_915 = arith.mulf %gather3A_912, %gather3A_912 : vector<16xf32>
      %add3A_916 = arith.addf %add3A_914, %mul3A_915 : vector<16xf32>
      %add3A_917 = arith.addf %add3A_906, %gather3A_911 : vector<16xf32>
      %add3A_918 = arith.addf %add3A_917, %gather3A_912 : vector<16xf32>
      %add3A_919 = arith.addf %add3A_918, %get3A_449 : vector<16xf32>
      %neg3A = arith.constant 0.000000e+00 : f32
      %neg3A_920 = vector.broadcast %neg3A : f32 to vector<16xf32>
      %neg3A_921 = arith.subf %neg3A_920, %add3A_919 : vector<16xf32>
      %exp3A = math.exp %neg3A_921 : vector<16xf32>
      %add3A_922 = arith.constant 1.000000e+00 : f32
      %add3A_923 = vector.broadcast %add3A_922 : f32 to vector<16xf32>
      %add3A_924 = arith.addf %add3A_923, %exp3A : vector<16xf32>
      %div3A = arith.constant 1.000000e+00 : f32
      %div3A_925 = vector.broadcast %div3A : f32 to vector<16xf32>
      %div3A_926 = arith.divf %div3A_925, %add3A_924 : vector<16xf32>
      tpu.vector_store_idx %arg18[%add3A_462], %div3A_926 : memref<512xf32, #tpu.memory_space<vmem>>[vector<16xi32>], vector<16xf32>,
      scf.yield %add3A_916 : vector<16xf32>
    }
    %scan3A_455 = arith.constant 32 : i32
    %swap3A = arith.constant 0 : index
    %swap3A_456 = tpu.vector_load %arg19[%swap3A] {strides = array<i32>} : memref<16xf32, #tpu.memory_space<vmem>>, vector<16xf32>,
    tpu.vector_store %arg19[%swap3A], %scan3A_454 {strides = array<i32>} : memref<16xf32, #tpu.memory_space<vmem>>, vector<16xf32>,
    "tpu.region"() ({
      %run_scoped3A = tpu.sem_alloc : memref<!tpu.dma_semaphore, #tpu.memory_space<semaphore_mem>>
      %dma_start3A_457 = tpu.memref_slice %arg9[%mul3A_2] : memref<16384xf32, #tpu.memory_space<hbm>> -> memref<512xf32, #tpu.memory_space<hbm>>
      %dma_start3A_458 = tpu.memref_slice %arg9[%mul3A_2] : memref<16384xf32, #tpu.memory_space<hbm>> -> memref<512xf32, #tpu.memory_space<hbm>>
      tpu.enqueue_dma source(%arg18 : memref<512xf32, #tpu.memory_space<vmem>>) target(%dma_start3A_458 : memref<512xf32, #tpu.memory_space<hbm>>) target_semaphore(%run_scoped3A : memref<!tpu.dma_semaphore, #tpu.memory_space<semaphore_mem>>)
      %dma_wait3A_459 = tpu.memref_slice %arg9[%mul3A_2] : memref<16384xf32, #tpu.memory_space<hbm>> -> memref<512xf32, #tpu.memory_space<hbm>>
      %dma_wait3A_460 = tpu.memref_slice %arg9[%mul3A_2] : memref<16384xf32, #tpu.memory_space<hbm>> -> memref<512xf32, #tpu.memory_space<hbm>>
      tpu.wait_dma2 semaphore(%run_scoped3A : memref<!tpu.dma_semaphore, #tpu.memory_space<semaphore_mem>>) src(%arg18 : memref<512xf32, #tpu.memory_space<vmem>>) dst(%dma_wait3A_460 : memref<512xf32, #tpu.memory_space<hbm>>)
      tpu.yield
    }) : () -> ()
    "tpu.region"() ({
      %run_scoped3A = tpu.sem_alloc : memref<!tpu.dma_semaphore, #tpu.memory_space<semaphore_mem>>
      %dma_start3A_457 = arith.constant 0 : i32
      %dma_start3A_458 = tpu.memref_slice %arg10[%add3A, %dma_start3A_457] : memref<32x16xf32, #tpu.memory_space<hbm>> -> memref<1x16xf32, #tpu.memory_space<hbm>>
      %dma_start3A_459 = tpu.memref_squeeze %dma_start3A_458 : memref<1x16xf32, #tpu.memory_space<hbm>> -> memref<16xf32, #tpu.memory_space<hbm>>
      %dma_start3A_460 = arith.constant 0 : i32
      %dma_start3A_461 = tpu.memref_slice %arg10[%add3A, %dma_start3A_460] : memref<32x16xf32, #tpu.memory_space<hbm>> -> memref<1x16xf32, #tpu.memory_space<hbm>>
      %dma_start3A_462 = tpu.memref_squeeze %dma_start3A_461 : memref<1x16xf32, #tpu.memory_space<hbm>> -> memref<16xf32, #tpu.memory_space<hbm>>
      tpu.enqueue_dma source(%arg19 : memref<16xf32, #tpu.memory_space<vmem>>) target(%dma_start3A_462 : memref<16xf32, #tpu.memory_space<hbm>>) target_semaphore(%run_scoped3A : memref<!tpu.dma_semaphore, #tpu.memory_space<semaphore_mem>>)
      %dma_wait3A_463 = arith.constant 0 : i32
      %dma_wait3A_464 = tpu.memref_slice %arg10[%add3A, %dma_wait3A_463] : memref<32x16xf32, #tpu.memory_space<hbm>> -> memref<1x16xf32, #tpu.memory_space<hbm>>
      %dma_wait3A_465 = tpu.memref_squeeze %dma_wait3A_464 : memref<1x16xf32, #tpu.memory_space<hbm>> -> memref<16xf32, #tpu.memory_space<hbm>>
      %dma_wait3A_466 = arith.constant 0 : i32
      %dma_wait3A_467 = tpu.memref_slice %arg10[%add3A, %dma_wait3A_466] : memref<32x16xf32, #tpu.memory_space<hbm>> -> memref<1x16xf32, #tpu.memory_space<hbm>>
      %dma_wait3A_468 = tpu.memref_squeeze %dma_wait3A_467 : memref<1x16xf32, #tpu.memory_space<hbm>> -> memref<16xf32, #tpu.memory_space<hbm>>
      tpu.wait_dma2 semaphore(%run_scoped3A : memref<!tpu.dma_semaphore, #tpu.memory_space<semaphore_mem>>) src(%arg19 : memref<16xf32, #tpu.memory_space<vmem>>) dst(%dma_wait3A_468 : memref<16xf32, #tpu.memory_space<hbm>>)
      tpu.yield
    }) : () -> ()
    return
  }
}

</mosaic_0001>

<sc_bundles>
// kernel: kernel.3.cloned.1.call-start
scs
__scs_entry_jumppad:
0x0: {  	(pc) =	sbr.rel $0x88, $3  }
0x1: {  	(tag) =	ssettag $0x0;
	lr =	simm.s32 $0x1  }
0x2: {  	[smem:$0x3F9A] =	sst lr;
	_ =	strace $0xD0000000  }
0x3: {  	_ = 	snop  }
0x4: {  	_ = 	snop  }
0x5: {  	_ = 	snop  }
0x6: {  	_ = 	snop  }
0x7: {  	_ = 	snop  }
__scs_overlays_trampoline_lowered:
0x8: {  	[smem:$0x3FA9] =	sst s0  }
0x9: {  	[smem:$0x3FAA] =	sst s1  }
0xa: {  	[smem:$0x3FAB] =	sst s2  }
0xb: {  	[smem:$0x3FAC] =	sst s3  }
0xc: {  	[smem:$0x3FAD] =	sst s4  }
0xd: {  	[smem:$0x3FAE] =	sst s5  }
0xe: {  	[smem:$0x3FAF] =	sst s6  }
0xf: {  	[smem:$0x3FB0] =	sst s7  }
0x10: {  	[smem:$0x3FB1] =	sst s8  }
0x11: {  	[smem:$0x3FB2] =	sst s9;
	s0 =	simm.s32 @!p0 $0x0  }
0x12: {  	s1 =	sld [smem:$0x3F98];
	s0 =	simm.s32 @p0 $0x1  }
0x13: {  	[smem:$0x3FB3] =	sst s0;
	s0 =	simm.s32 @!p1 $0x0  }
0x14: {  	s2 =	sld [smem:$0x3F97];
	s0 =	simm.s32 @p1 $0x1  }
0x15: {  	[smem:$0x3FB4] =	sst s0;
	s0 =	simm.s32 @!p2 $0x0  }
0x16: {  	s3 =	sld [smem:$0x3FDB];
	s0 =	simm.s32 @p2 $0x1  }
0x17: {  	s4 =	simm.s32 $0x1BF5;
	[smem:$0x3FB6] =	sst s0  }
0x18: {  	s0 =	sld [smem:$0x3F99];
	_ =	swait.ge [sflag:s4], $0x0  }
0x19: {  	s7 =	sld [smem:$0x3F9A]  }
0x1a: {  	s8 =	sadd.s32 $0xFFFFE003, lr  }
0x1b: {  	s9 =	sadd.s32 $0xFFFFFEF7, lr;
	s5 =	simm.s32 $0xFFFFFFFF;
	p2 =	slt.u32 s8, $0xFFFFF086  }
0x1c: {  	p1 =	slt.u32 s9, $0xF7A;
	s5 =	simm.s32 @!p2 $0x0  }
0x1d: {  	s5 =	simm.s32 @p1 $0x1;
	p0 =	seq.s32 s7, s2  }
0x1e: {  	s7 =	smul.u32 @!p0 $0xF7A, s2;
	p2 =	seq.s32 @!p0 s5, $0x0  }
0x1f: {  	s9 =	smul.u32 $0xF7A, s1;
	s8 =	simm.s32 @!p0 $0x1BF5;
	p2 =	por !p2, p0  }
0x20: {  	[sflag:s8] =	ssyncset.s32 @!p0 $0xFFFFF086;
	s6 =	sadd.s32 @!p0 s3, s7;
	s7 =	simm.s32 @!p0 $0x108  }
0x21: {  	s3 =	sadd.s32 s3, s9;
	s6 =	sadd.s32 @!p0 $0x88, s6;
	s7 =	simm.s32 @p2 $0x1082  }
0x22: {  	[simem:s7], [sflag:s8] =	dma.local @!p0 [hbm:s6], $0xF7A  }
0x23: {  	s9 =	sor.u32 $0xD0000000, s2;
	s6 =	simm.s32 $0x108;
	_ =	swait.ge @!p0 [sflag:s8], $0x0  }
0x24: {  	s3 =	sadd.s32 $0x88, s3;
	s6 =	simm.s32 @!p1 $0x1082;
	[sflag:s4] =	ssyncset.s32 $0xFFFFF086  }
0x25: {  	[simem:s6], [sflag:s4] =	dma.local [hbm:s3], $0xF7A  }
0x26: {  	[smem:$0x3F9A] =	sst s1;
	(tag) =	ssettag s2;
	_ =	strace s9  }
0x27: {  	s1 =	sld [smem:$0x3FAA]  }
0x28: {  	s2 =	sld [smem:$0x3FAB]  }
0x29: {  	s4 =	sld [smem:$0x3FAD]  }
0x2a: {  	p0 =	seq.s32 s5, $0x0;
	s5 =	sld [smem:$0x3FAE]  }
0x2b: {  	s6 =	sld [smem:$0x3FAF]  }
0x2c: {  	s7 =	sld [smem:$0x3FB0]  }
0x2d: {  	s3 =	simm.s32 $0x108;
	s8 =	sld [smem:$0x3FB1]  }
0x2e: {  	s3 =	simm.s32 @!p0 $0x1082;
	s9 =	sld [smem:$0x3FB2]  }
0x2f: {  	lr =	sadd.s32 s0, s3;
	s0 =	sld [smem:$0x3FA9]  }
0x30: {  	s3 =	sld [smem:$0x3FAC]  }
0x31: {  	[smem:$0x3FB5] =	sst s10  }
0x32: {  	s10 =	sld [smem:$0x3FB3];
	_ =	sdelay $0x3  }
0x33: {  	p0 =	seq.s32 s10, $0x1;
	s10 =	sld [smem:$0x3FB5];
	_ =	sdelay $0x3  }
0x34: {  	[smem:$0x3FB5] =	sst s10  }
0x35: {  	s10 =	sld [smem:$0x3FB4];
	_ =	sdelay $0x3  }
0x36: {  	p1 =	seq.s32 s10, $0x1;
	s10 =	sld [smem:$0x3FB5];
	_ =	sdelay $0x3  }
0x37: {  	[smem:$0x3FB5] =	sst s10  }
0x38: {  	s10 =	sld [smem:$0x3FB6]  }
0x39: {  	_ = 	snop;
	(pc) =	sbr.ind lr, $3  }
0x3a: {  	_ = 	snop  }
0x3b: {  	_ = 	snop  }
0x3c: {  	p2 =	seq.s32 s10, $0x1;
	s10 =	sld [smem:$0x3FB5]  }
0x3d: {  	_ =	shalt  }
0x3e: {  	_ =	shalt  }
0x3f: {  	_ =	shalt  }
0x40: {  	_ =	shalt  }
0x41: {  	_ =	shalt  }
0x42: {  	_ =	shalt  }
0x43: {  	_ =	shalt  }
0x44: {  	_ =	shalt  }
0x45: {  	_ =	shalt  }
0x46: {  	_ =	shalt  }
0x47: {  	_ =	shalt  }
0x48: {  	_ =	shalt  }
0x49: {  	_ =	shalt  }
0x4a: {  	_ =	shalt  }
0x4b: {  	_ =	shalt  }
0x4c: {  	_ =	shalt  }
0x4d: {  	_ =	shalt  }
0x4e: {  	_ =	shalt  }
0x4f: {  	_ =	shalt  }
0x50: {  	_ =	shalt  }
0x51: {  	_ =	shalt  }
0x52: {  	_ =	shalt  }
0x53: {  	_ =	shalt  }
0x54: {  	_ =	shalt  }
0x55: {  	_ =	shalt  }
0x56: {  	_ =	shalt  }
0x57: {  	_ =	shalt  }
0x58: {  	_ =	shalt  }
0x59: {  	_ =	shalt  }
0x5a: {  	_ =	shalt  }
0x5b: {  	_ =	shalt  }
0x5c: {  	_ =	shalt  }
0x5d: {  	_ =	shalt  }
0x5e: {  	_ =	shalt  }
0x5f: {  	_ =	shalt  }
0x60: {  	_ =	shalt  }
0x61: {  	_ =	shalt  }
0x62: {  	_ =	shalt  }
0x63: {  	_ =	shalt  }
0x64: {  	_ =	shalt  }
0x65: {  	_ =	shalt  }
0x66: {  	_ =	shalt  }
0x67: {  	_ =	shalt  }
0x68: {  	_ =	shalt  }
0x69: {  	_ =	shalt  }
0x6a: {  	_ =	shalt  }
0x6b: {  	_ =	shalt  }
0x6c: {  	_ =	shalt  }
0x6d: {  	_ =	shalt  }
0x6e: {  	_ =	shalt  }
0x6f: {  	_ =	shalt  }
0x70: {  	_ =	shalt  }
0x71: {  	_ =	shalt  }
0x72: {  	_ =	shalt  }
0x73: {  	_ =	shalt  }
0x74: {  	_ =	shalt  }
0x75: {  	_ =	shalt  }
0x76: {  	_ =	shalt  }
0x77: {  	_ =	shalt  }
0x78: {  	_ =	shalt  }
0x79: {  	_ =	shalt  }
0x7a: {  	_ =	shalt  }
0x7b: {  	_ =	shalt  }
0x7c: {  	_ =	shalt  }
0x7d: {  	_ =	shalt  }
0x7e: {  	_ =	shalt  }
0x7f: {  	_ =	shalt  }
0x80: {  	_ =	shalt  }
0x81: {  	_ =	shalt  }
0x82: {  	_ =	shalt  }
0x83: {  	_ =	shalt  }
0x84: {  	_ =	shalt  }
0x85: {  	_ =	shalt  }
0x86: {  	_ =	shalt  }
0x87: {  	_ =	shalt  }
.Lfunc_end0:
.L_simem_size_0:
called_computation_lowered:
.L_overlay_start_0:
0x88: {  	s2 =	sld [smem:$0x3FD9]  }
0x89: {  	s3 =	sld [smem:$0x3FFE];
	_ =	sdelay $0x1  }
0x8a: {  	s1 =	srdreg.scid  }
0x8b: {  	s0 =	sand.u32 $0x1, s1  }
0x8c: {  	s14 =	sshll.u32 s0, $0xA;
	s2 =	sadd.s32 s3, s2  }
0x8d: {  	s2 =	sadd.s32 s2, s14  }
0x8e: {  	[smem:$0x3FC1] =	sst s2  }
0x8f: {  	_ = 	snop  }
0x90: {  	s2 =	sld [smem:$0x3FD0];
	_ =	sdelay $0x1  }
0x91: {  	s15 =	sld [smem:$0x3FC9]  }
0x92: {  	s5 =	simm.s32 $0xA;
	s6 =	simm.s32 $0x10;
	s4 =	sld [smem:$0x3FC8]  }
0x93: {  	[smem:s6], [sflag:s5] =	dma.local [hbm:s2], $0x1  }
0x94: {  	_ =	swait.eq [sflag:s5], $0x1  }
0x95: {  	[sflag:s5] =	ssyncset.done $0x0  }
0x96: {  	[sflag:s5] =	ssyncadd.s32 $0xFFFFFFFF  }
0x97: {  	s16 =	sld [smem:$0x10];
	(tm) =	ssettm $0x1  }
0x98: {  	s17 =	sld [smem:$0x3FFB];
	_ =	sdelay $0x3  }
0x99: {  	_ =	strace s17  }
0x9a: {  	s5 =	sld [smem:$0x3FFC];
	_ =	sdelay $0x3  }
0x9b: {  	_ =	strace s5  }
0x9c: {  	s5 =	sld [smem:$0x3FFD];
	_ =	sdelay $0x3  }
0x9d: {  	_ =	strace s5  }
0x9e: {  	_ =	strace $0x8FFFFFFF  }
0x9f: {  	s18 =	sld [smem:$0x3FDB];
	_ =	sdelay $0x1  }
0xa0: {  	s19 =	simm.s32 $_scs_section_size  }
0xa1: {  	s7 =	simm.s32 $_size__tile_overlayer_lowered;
	s8 =	simm.s32 $_tile_overlayer_lowered  }
0xa2: {  	s22 =	simm.s32 $0x1BFF;
	s21 =	sshll.u32 s8, $0x1;
	s5 =	sadd.s32 s19, s18  }
0xa3: {  	s9 =	simm.s32 $0x0;
	s20 =	sshll.u32 s7, $0x1;
	s7 =	sadd.s32 s21, s5  }
0xa4: {  	[timem:s9], [sflag:s22] =	dma.local [hbm:s7], s20  }
0xa5: {  	_ =	swait.ge [sflag:s22], s20  }
0xa6: {  	s6 =	ssub.s32 $0x0, s20;
	[sflag:s22] =	ssyncset.done $0x0  }
0xa7: {  	[sflag:s22] =	ssyncadd.s32 s6;
	_ =	sdelay $0x1  }
0xa8: {  	s23 =	simm.s32 $0x1B8B  }
0xa9: {  	_ =	swait.ge [sflag:s23], $0x1  }
0xaa: {  	[sflag:s23] =	ssyncset.done $0x0  }
0xab: {  	s25 =	simm.s32 $0x1B8E;
	s24 =	sld [smem:$0x3FFE];
	[sflag:s23] =	ssyncadd.s32 $0xFFFFFFFF  }
0xac: {  	s26 =	simm.s32 $execute0_lowered;
	[smem:$0x3FD2] =	sst s25  }
0xad: {  	s7 =	sshll.u32 s26, $0x1;
	_ =	strace $0x80000046;
	[dreg:$0x1] =	wrdreg $0xFFFFFFFF  }
0xae: {  	s28 =	simm.s32 $_size_execute0_lowered;
	s5 =	sadd.s32 s5, s7;
	[dreg:$0x0] =	wrdreg $0x0  }
0xaf: {  	s7 =	sshll.u32 s28, $0x1;
	[dreg:$0x2] =	wrdreg s5  }
0xb0: {  	[dreg:$0x3] =	wrdreg s7  }
0xb1: {  	[dreg:$0x4] =	wrdreg $0xC0  }
0xb2: {  	_ =	task [dreg:s9], $0x5FFFF  }
0xb3: {  	[dreg:$0x1] =	wrdreg $0xFFFFFFFF  }
0xb4: {  	[dreg:$0x0] =	wrdreg $0x60  }
0xb5: {  	[dreg:$0x2] =	wrdreg s15  }
0xb6: {  	[dreg:$0x3] =	wrdreg s4  }
0xb7: {  	[dreg:$0x4] =	wrdreg s24  }
0xb8: {  	[dreg:$0x5] =	wrdreg s16  }
0xb9: {  	[dreg:$0x6] =	wrdreg $0x9  }
0xba: {  	_ =	task.clear_ibuf [dreg:s9], $0x7FFFF;
	_ =	strace $0x90000046  }
0xbb: {  	s29 =	simm.s32 $0x9;
	_ =	strace $0x80000048  }
0xbc: {  	_ =	swait.ge [sflag:s29], $0x1  }
0xbd: {  	[sflag:s29] =	ssyncadd.s32 $0xFFFFFFFF  }
0xbe: {  	_ =	strace $0x90000048  }
0xbf: {  	_ =	sfence  }
0xc0: {  	s30 =	sld [smem:$0x0];
	_ =	sdelay $0x2  }
0xc1: {  	s31 =	sshll.u32 s1, $0xD;
	s1 =	sshrl.u32 s1, $0x2  }
0xc2: {  	s3 =	sand.u32 $0x4000, s31;
	s1 =	sadd.s32 s1, s30  }
0xc3: {  	s0 =	sor.u32 s3, s0;
	s1 =	sshll.u32 s1, $0x11  }
0xc4: {  	s0 =	sor.u32 s1, s0  }
0xc5: {  	s0 =	sadd.s32 $0x8F2B, s0  }
0xc6: {  	[sflag:s0] =	ssyncadd.remote.s32 $0x1  }
0xc7: {  	_ =	sfence.sel $0xFFFF  }
0xc8: {  	[dreg:$0x0] =	wrdreg $0xFFFFFFFF;
	(pc) =	sbr.abs _section_cstart, $3  }
0xc9: {  	[dreg:$0x1] =	wrdreg $0xFFFFFFFF  }
0xca: {  	_ =	task.clear_ibuf [dreg:s9], $0x2FFFF;
	_ =	strace $0x9FFFFFFF  }
0xcb: {  	(tm) =	ssettm $0x7FFFFFFF  }
tec
execute0_lowered:
.L_overlay_start_1:
0x0: {  	(tag) =	ssettag $0x1  }
0x1: {  	v60 =	vlaneseq.u32;
	v34 =	vimm.s32 $0x14131211;
	v1 =	vimm.s32 $0x18171615  }
0x2: {  	vm0 =	vcmask $0x1F10;
	v35 =	vimm.s32 $0x1C1B1A19;
	v36 =	vimm.s32 $0x1F1E1D  }
0x3: {  	v5 =	vimm.s32 $0x15141312;
	v38 =	vimm.s32 $0x19181716;
	v39 =	vimm.s32 $0x1D1C1B1A  }
0x4: {  	v7 =	vimm.s32 $0x1001F1E;
	v9 =	vimm.s32 $0x16151413;
	v41 =	vimm.s32 $0x1A191817  }
0x5: {  	v12 =	vimm.s32 $0x1E1D1C1B;
	v13 =	vimm.s32 $0x201001F;
	v48 =	vimm.s32 $0x3020100  }
0x6: {  	v50 =	vimm.s32 $0x1F1E1D1C;
	v15 =	vimm.s32 $0x1B1A1918;
	v17 =	vimm.s32 $0x4030201  }
0x7: {  	v18 =	vimm.s32 $0x5040302;
	v55 =	vimm.s32 $0x87654321;
	v59 =	vimm.s32 $0x98765432  }
0x8: {  	v63 =	vimm.s32 $0xA9876543;
	vm15 =	vcmask $0x2F10;
	v44 =	vimm.s32 $0xB0A0908  }
0x9: {  	vm1 =	vcmask $0x3F30;
	v45 =	vimm.s32 $0x54329876;
	v46 =	vimm.s32 $0x6543A987  }
0xa: {  	v61 =	vadd.s32 $0x1, v60;
	v24 =	vadd.s32 $0x2, v60;
	v25 =	vadd.s32 $0x3, v60  }
0xb: {  	v26 =	vadd.s32 $0x4, v60;
	v0 =	vadd.s32 $0x9, v60;
	v16 =	vadd.s32 $0xC, v60  }
0xc: {  	v3 =	vunpack.c.0.s8.s32 v34;
	v4 =	vunpack.c.0.s8.s32 v1;
	v6 =	vunpack.c.0.s8.s32 v35  }
0xd: {  	v2 =	vunpack.c.0.s8.s32 v36;
	v37 =	vunpack.c.0.s8.s32 v5;
	v8 =	vunpack.c.0.s8.s32 v38  }
0xe: {  	v5 =	vunpack.c.0.s8.s32 v39;
	v9 =	vunpack.c.0.s8.s32 v9;
	v14 =	vunpack.c.0.s8.s32 v41  }
0xf: {  	v12 =	vunpack.c.0.s8.s32 v12;
	v1 =	vunpack.c.0.s8.s32 v13;
	v21 =	vadd.s32 $0xD, v60  }
0x10: {  	v49 =	vunpack.c.0.s8.s32 v48;
	v13 =	vimm.s32 $0x17161514;
	v15 =	vunpack.c.0.s8.s32 v15  }
0x11: {  	v17 =	vunpack.c.0.s8.s32 v17;
	v19 =	vunpack.c.0.s8.s32 v18;
	v18 =	vimm.s32 $0x6050403  }
0x12: {  	v38 =	vadd.s32 $0xF, v60;
	[tilespmem:$0x1FEA0] =	vst v0;
	v0 =	vunpack.c.0.s8.s32 v7;
	v13 =	vunpack.c.0.s8.s32 v13  }
0x13: {  	v51 =	vunpack.c.0.s8.s32 v18;
	v3 =	vsel vm0, v4, v3;
	v40 =	vsel vm0, v2, v6  }
0x14: {  	s1 =	rddreg [dreg:$0x0];
	v10 =	vsel vm0, v8, v37;
	v42 =	vsel vm0, v14, v9;
	v43 =	vsel vm0, v1, v12  }
0x15: {  	s4 =	rddreg [dreg:$0x1];
	v20 =	vsel vm0, v17, v2;
	v4 =	vsel vm0, v6, v4;
	v53 =	vsel vm0, v5, v8  }
0x16: {  	s0 =	rddreg [dreg:$0x2];
	s2 =	simm.s32 $0x0;
	v56 =	vsel vm0, v12, v14;
	v12 =	vimm.s32 $0x76543210;
	v6 =	vunpack.c.l.s4.s8 v55  }
0x17: {  	[smem:$0x7FF] =	sst s2;
	v55 =	vimm.s32 $0xD0C0B0A;
	v11 =	vsel vm0, v0, v5;
	v22 =	vcombine.low v3, v40  }
0x18: {  	s7 =	rddreg [dreg:$0x3];
	_ =	strace $0x80000047;
	[tilespmem:$0x1FEF0] =	vst v38;
	v33 =	vcombine.low v42, v43;
	v13 =	vsel vm0, v15, v13;
	v62 =	vcombine.low v4, v20  }
0x19: {  	[tilespmem:$0x1FFC0] =	vst v16;
	v52 =	vsel vm0, v19, v0;
	v54 =	vsel vm0, v51, v1;
	v57 =	vunpack.c.l.s4.s8 v12  }
0x1a: {  	[tilespmem:$0x1FFD0] =	vst v21;
	v5 =	vunpack.c.l.s4.s8 v59;
	v12 =	vimm.s32 $0x32107654;
	v59 =	vor.u32 $0xFFFFFFF8, v60  }
0x1b: {  	v58 =	vunpack.c.0.s8.s32 v6;
	v6 =	vunpack.c.l.s4.s8 v63;
	v63 =	vadd.s32 $0xE, v60;
	[tilespmem:$0x1FEE0] =	vst v59  }
0x1c: {  	v23 =	vcombine.low v10, v11;
	v10 =	vunpack.c.0.s8.s32 v50;
	v14 =	vcombine.low v53, v52;
	[tilespmem:$0x1FF60] =	vst v63  }
0x1d: {  	s8 =	srdreg.scid;
	s9 =	stileid.u32;
	v20 =	vcombine.low v56, v54;
	v12 =	vunpack.c.l.s4.s8 v12;
	v52 =	vimm.s32 $0xC0B0A09;
	[tilespmem:$0x1FF70] =	vst v33  }
0x1e: {  	s19 =	simm.s32 $0x200;
	s20 =	simm.s32 $0x80;
	s21 =	simm.s32 $0x280;
	v54 =	vunpack.c.l.s4.s8 v46;
	v5 =	vunpack.c.0.s8.s32 v5;
	[tilespmem:$0x1FF80] =	vst v62;
	v3 =	vsel vm0, v49, v10  }
0x1f: {  	s22 =	simm.s32 $0x100;
	s28 =	simm.s32 $0x1;
	s29 =	simm.s32 $0x400;
	[tilespmem:$0x1FFE0] =	vst v22;
	v34 =	vsel vm0, v10, v15;
	v4 =	vand.u32 $0xF, v58;
	v6 =	vunpack.c.0.s8.s32 v6  }
0x20: {  	s30 =	simm.s32 $0x4400;
	s31 =	simm.s32 $0x8400;
	s3 =	sadd.s32 $0x1312E00, s0;
	v41 =	vunpack.c.0.s8.s32 v12;
	[tilespmem:$0x1FF90] =	vst v20;
	v13 =	vcombine.low v13, v3;
	v3 =	vunpack.c.0.s8.s32 v57  }
0x21: {  	s5 =	sadd.s32 $0xF42400, s0;
	s8 =	sand.u32 $0x1, s8;
	s9 =	sshll.u32 s9, $0x1;
	[tilespmem:$0x1FFB0] =	vst v14;
	v48 =	vcombine.low v40, v4;
	v35 =	vand.u32 $0xF, v5;
	v40 =	vand.u32 $0xF, v6  }
0x22: {  	s6 =	sadd.s32 $0x1EA00, s0;
	s10 =	sadd.s32 $0x3D400, s0;
	s9 =	sor.u32 s8, s9;
	[tilespmem:$0x1FFF0] =	vst v23;
	v5 =	vunpack.c.0.s8.s32 v44;
	v50 =	vcombine.low v43, v40;
	v43 =	vimm.s32 $0x43218765  }
0x23: {  	s8 =	ssub.s32 $0x2, s8;
	[dreg:$0x5] =	wrdreg s10;
	s23 =	sshll.u32 s9, $0x1;
	v49 =	vcombine.low v11, v35;
	v6 =	vunpack.c.l.s4.s8 v45;
	[tilespmem:$0x1FF20] =	vst v48;
	v4 =	vunpack.c.l.s4.s8 v43  }
0x24: {  	s11 =	sshrl.u32 s8, $0x1;
	s9 =	sshll.u32 s9, $0x6;
	s17 =	sadd.s32 s23, s0;
	v42 =	vand.u32 $0xF, v41;
	v47 =	vcombine.low v34, v3;
	v40 =	vor.u32 $0x10, v60;
	[tilespmem:$0x1FFA0] =	vst v13  }
0x25: {  	s8 =	ssub.s32 s8, s11;
	s24 =	sor.u32 $0x10, s9;
	s25 =	sadd.s32 s1, s9;
	v3 =	vsel vm15, v42, v10;
	v6 =	vunpack.c.0.s8.s32 v6;
	[tilespmem:$0x1FF00] =	vst v40;
	v4 =	vunpack.c.0.s8.s32 v4  }
0x26: {  	s26 =	sadd.s32 s4, s9;
	s13 =	sor.u32 $0x20, s9;
	s15 =	sor.u32 $0x30, s9;
	v57 =	vimm.s32 $0xE0D0C0B;
	v53 =	vsel vm1, v5, v3;
	v5 =	vunpack.c.0.s8.s32 v54;
	[tilespmem:$0x1FF30] =	vst v49  }
0x27: {  	s16 =	sadd.s32 s7, s9;
	s23 =	simm.s32 $0x300;
	[dreg:$0x6] =	wrdreg s25;
	v3 =	vunpack.c.0.s8.s32 v52;
	[tilespmem:$0x1FF10] =	vst v47;
	v56 =	vand.u32 $0xF, v6;
	v4 =	vand.u32 $0xF, v4  }
0x28: {  	s7 =	simm.s32 $0x0;
	[dreg:$0x7] =	wrdreg s26;
	s10 =	sadd.s32 s1, s24;
	[tilespmem:$0x1FF40] =	vst v50;
	v5 =	vand.u32 $0xF, v5;
	v2 =	vsel vm15, v4, v2;
	v4 =	vunpack.c.0.s8.s32 v55  }
0x29: {  	s11 =	sadd.s32 s4, s24;
	s12 =	sadd.s32 s1, s13;
	s13 =	sadd.s32 s4, s13;
	[tilespmem:$0x1FF50] =	vst v53;
	v0 =	vsel vm15, v56, v0;
	v2 =	vsel vm1, v3, v2;
	v3 =	vunpack.c.0.s8.s32 v57  }
0x2a: {  	v27 =	vadd.s32 $0x5, v60;
	s14 =	sadd.s32 s1, s15;
	s15 =	sadd.s32 s4, s15;
	s17 =	sadd.s32 $0x3D600, s17;
	v1 =	vsel vm15, v5, v1;
	[tilespmem:$0x1FEB0] =	vst v2;
	v0 =	vsel vm1, v4, v0  }
0x2b: {  	v28 =	vadd.s32 $0x6, v60;
	v29 =	vadd.s32 $0x7, v60;
	s18 =	smax.u32 s8, $0x1;
	s24 =	simm.s32 $0x180;
	s25 =	simm.s32 $0x380;
	[tilespmem:$0x1FEC0] =	vst v0;
	v58 =	vsel vm1, v3, v1  }
0x2c: {  	v30 =	vadd.s32 $0x8, v60;
	v31 =	vadd.s32 $0xA, v60;
	v32 =	vadd.s32 $0xB, v60;
	s1 =	simm.s32 $0x8600;
	s4 =	simm.s32 $0x8810;
	s26 =	simm.s32 $0x2;
	[tilespmem:$0x1FED0] =	vst v58  }
.LBB2_1:
0x2d: {  	s8 =	rddreg [dreg:$0x6]  }
0x2e: {  	[tilespmem:s2], [sflag:$0x1] =	stream.linear.gather [hbm4b:s8+s2], $0x80, $0x38;
	[tilespmem:$0x8A20] =	vst v63  }
0x2f: {  	s9 =	rddreg [dreg:$0x7]  }
0x30: {  	[tilespmem:s19], [sflag:$0x1] =	stream.linear.gather [hbm4b:s9+s2], $0x80, $0x38;
	[tilespmem:$0x8A20] =	vst v63  }
0x31: {  	_ = 	snop  }
0x32: {  	[tilespmem:s20], [sflag:$0x1] =	stream.linear.gather [hbm4b:s10+s2], $0x80, $0x38;
	[tilespmem:$0x8A20] =	vst v63  }
0x33: {  	_ = 	snop  }
0x34: {  	[tilespmem:s21], [sflag:$0x1] =	stream.linear.gather [hbm4b:s11+s2], $0x80, $0x38;
	[tilespmem:$0x8A20] =	vst v63  }
0x35: {  	_ = 	snop  }
0x36: {  	[tilespmem:s22], [sflag:$0x1] =	stream.linear.gather [hbm4b:s12+s2], $0x80, $0x38;
	[tilespmem:$0x8A20] =	vst v63  }
0x37: {  	_ = 	snop  }
0x38: {  	[tilespmem:s23], [sflag:$0x1] =	stream.linear.gather [hbm4b:s13+s2], $0x80, $0x38;
	[tilespmem:$0x8A20] =	vst v63  }
0x39: {  	_ = 	snop  }
0x3a: {  	[tilespmem:s24], [sflag:$0x1] =	stream.linear.gather [hbm4b:s14+s2], $0x80, $0x38;
	[tilespmem:$0x8A20] =	vst v63  }
0x3b: {  	_ = 	snop  }
0x3c: {  	[tilespmem:s25], [sflag:$0x1] =	stream.linear.gather [hbm4b:s15+s2], $0x80, $0x38;
	[tilespmem:$0x8A20] =	vst v63  }
0x3d: {  	s8 =	rddreg [dreg:$0x5];
	s9 =	simm.s32 $0x8800  }
0x3e: {  	[tilespmem:s9], [sflag:$0x1] =	stream.linear.gather [hbm4b:s8+s2], $0x10, $0x38;
	[tilespmem:$0x8A20] =	vst v63  }
0x3f: {  	_ =	swait.ge [sflag:s28], $0x80  }
0x40: {  	[sflag:s28] =	ssyncset.done $0x0  }
0x41: {  	[sflag:s28] =	ssyncadd.s32 $0xFFFFFF80  }
0x42: {  	_ =	swait.ge [sflag:s28], $0x80  }
0x43: {  	[sflag:s28] =	ssyncset.done $0x0  }
0x44: {  	[sflag:s28] =	ssyncadd.s32 $0xFFFFFF80  }
0x45: {  	_ =	swait.ge [sflag:s28], $0x80  }
0x46: {  	[sflag:s28] =	ssyncset.done $0x0  }
0x47: {  	[sflag:s28] =	ssyncadd.s32 $0xFFFFFF80  }
0x48: {  	_ =	swait.ge [sflag:s28], $0x80  }
0x49: {  	[sflag:s28] =	ssyncset.done $0x0  }
0x4a: {  	[sflag:s28] =	ssyncadd.s32 $0xFFFFFF80  }
0x4b: {  	_ =	swait.ge [sflag:s28], $0x80  }
0x4c: {  	[sflag:s28] =	ssyncset.done $0x0  }
0x4d: {  	[sflag:s28] =	ssyncadd.s32 $0xFFFFFF80  }
0x4e: {  	_ =	swait.ge [sflag:s28], $0x80  }
0x4f: {  	[sflag:s28] =	ssyncset.done $0x0  }
0x50: {  	[sflag:s28] =	ssyncadd.s32 $0xFFFFFF80  }
0x51: {  	_ =	swait.ge [sflag:s28], $0x80  }
0x52: {  	[sflag:s28] =	ssyncset.done $0x0  }
0x53: {  	[sflag:s28] =	ssyncadd.s32 $0xFFFFFF80  }
0x54: {  	_ =	swait.ge [sflag:s28], $0x80  }
0x55: {  	[sflag:s28] =	ssyncset.done $0x0  }
0x56: {  	[sflag:s28] =	ssyncadd.s32 $0xFFFFFF80  }
0x57: {  	_ =	swait.ge [sflag:s28], $0x10  }
0x58: {  	[sflag:s28] =	ssyncset.done $0x0  }
0x59: {  	[sflag:s28] =	ssyncadd.s32 $0xFFFFFFF0  }
0x5a: {  	[tilespmem:s29], [sflag:$0x1] =	stream.indirect.gather [hbm4b:s3+s20], $0x20, s2, s20, $0xb8;
	[tilespmem:$0x8A20] =	vst v63  }
0x5b: {  	_ = 	snop  }
0x5c: {  	[tilespmem:s30], [sflag:$0x1] =	stream.indirect.gather [hbm4b:s5+s20], $0x20, s19, s20, $0xb8;
	[tilespmem:$0x8A20] =	vst v63  }
0x5d: {  	_ = 	snop  }
0x5e: {  	[tilespmem:s31], [sflag:$0x1] =	stream.indirect.gather [hbm4b:s6+s20], $0x1, s2, s20, $0xb8;
	[tilespmem:$0x8A20] =	vst v63  }
0x5f: {  	_ = 	snop  }
0x60: {  	[tilespmem:s1], [sflag:$0x1] =	stream.indirect.gather [hbm4b:s0+s20], $0x1, s19, s20, $0xb8;
	[tilespmem:$0x8A20] =	vst v63  }
0x61: {  	s9 =	simm.s32 $0x1400  }
0x62: {  	[tilespmem:s9], [sflag:$0x1] =	stream.indirect.gather [hbm4b:s3+s20], $0x20, s20, s20, $0xb8;
	[tilespmem:$0x8A20] =	vst v63  }
0x63: {  	s9 =	simm.s32 $0x5400  }
0x64: {  	[tilespmem:s9], [sflag:$0x1] =	stream.indirect.gather [hbm4b:s5+s20], $0x20, s21, s20, $0xb8;
	[tilespmem:$0x8A20] =	vst v63  }
0x65: {  	s9 =	simm.s32 $0x8480  }
0x66: {  	[tilespmem:s9], [sflag:$0x1] =	stream.indirect.gather [hbm4b:s6+s20], $0x1, s20, s20, $0xb8;
	[tilespmem:$0x8A20] =	vst v63  }
0x67: {  	s9 =	simm.s32 $0x8680  }
0x68: {  	[tilespmem:s9], [sflag:$0x1] =	stream.indirect.gather [hbm4b:s0+s20], $0x1, s21, s20, $0xb8;
	[tilespmem:$0x8A20] =	vst v63  }
0x69: {  	s9 =	simm.s32 $0x2400  }
0x6a: {  	[tilespmem:s9], [sflag:$0x1] =	stream.indirect.gather [hbm4b:s3+s20], $0x20, s22, s20, $0xb8;
	[tilespmem:$0x8A20] =	vst v63  }
0x6b: {  	s9 =	simm.s32 $0x6400  }
0x6c: {  	[tilespmem:s9], [sflag:$0x1] =	stream.indirect.gather [hbm4b:s5+s20], $0x20, s23, s20, $0xb8;
	[tilespmem:$0x8A20] =	vst v63  }
0x6d: {  	s9 =	simm.s32 $0x8500  }
0x6e: {  	[tilespmem:s9], [sflag:$0x1] =	stream.indirect.gather [hbm4b:s6+s20], $0x1, s22, s20, $0xb8;
	[tilespmem:$0x8A20] =	vst v63  }
0x6f: {  	s9 =	simm.s32 $0x8700  }
0x70: {  	[tilespmem:s9], [sflag:$0x1] =	stream.indirect.gather [hbm4b:s0+s20], $0x1, s23, s20, $0xb8;
	[tilespmem:$0x8A20] =	vst v63  }
0x71: {  	s9 =	simm.s32 $0x3400  }
0x72: {  	[tilespmem:s9], [sflag:$0x1] =	stream.indirect.gather [hbm4b:s3+s20], $0x20, s24, s20, $0xb8;
	[tilespmem:$0x8A20] =	vst v63  }
0x73: {  	s9 =	simm.s32 $0x7400  }
0x74: {  	[tilespmem:s9], [sflag:$0x1] =	stream.indirect.gather [hbm4b:s5+s20], $0x20, s25, s20, $0xb8;
	[tilespmem:$0x8A20] =	vst v63  }
0x75: {  	s9 =	simm.s32 $0x8580  }
0x76: {  	[tilespmem:s9], [sflag:$0x1] =	stream.indirect.gather [hbm4b:s6+s20], $0x1, s24, s20, $0xb8;
	[tilespmem:$0x8A20] =	vst v63  }
0x77: {  	s9 =	simm.s32 $0x8780  }
0x78: {  	[tilespmem:s9], [sflag:$0x1] =	stream.indirect.gather [hbm4b:s0+s20], $0x1, s25, s20, $0xb8;
	[tilespmem:$0x8A20] =	vst v63  }
0x79: {  	_ =	swait.ge [sflag:s28], $0x1000  }
0x7a: {  	[sflag:s28] =	ssyncset.done $0x0  }
0x7b: {  	[sflag:s28] =	ssyncadd.s32 $0xFFFFF000  }
0x7c: {  	_ =	swait.ge [sflag:s28], $0x1000  }
0x7d: {  	[sflag:s28] =	ssyncset.done $0x0  }
0x7e: {  	[sflag:s28] =	ssyncadd.s32 $0xFFFFF000  }
0x7f: {  	_ =	swait.ge [sflag:s28], $0x80  }
0x80: {  	[sflag:s28] =	ssyncset.done $0x0  }
0x81: {  	[sflag:s28] =	ssyncadd.s32 $0xFFFFFF80  }
0x82: {  	_ =	swait.ge [sflag:s28], $0x80  }
0x83: {  	[sflag:s28] =	ssyncset.done $0x0  }
0x84: {  	[sflag:s28] =	ssyncadd.s32 $0xFFFFFF80  }
0x85: {  	_ =	swait.ge [sflag:s28], $0x1000  }
0x86: {  	[sflag:s28] =	ssyncset.done $0x0  }
0x87: {  	[sflag:s28] =	ssyncadd.s32 $0xFFFFF000  }
0x88: {  	_ =	swait.ge [sflag:s28], $0x1000  }
0x89: {  	[sflag:s28] =	ssyncset.done $0x0  }
0x8a: {  	[sflag:s28] =	ssyncadd.s32 $0xFFFFF000  }
0x8b: {  	_ =	swait.ge [sflag:s28], $0x80  }
0x8c: {  	[sflag:s28] =	ssyncset.done $0x0  }
0x8d: {  	[sflag:s28] =	ssyncadd.s32 $0xFFFFFF80  }
0x8e: {  	_ =	swait.ge [sflag:s28], $0x80  }
0x8f: {  	[sflag:s28] =	ssyncset.done $0x0  }
0x90: {  	[sflag:s28] =	ssyncadd.s32 $0xFFFFFF80  }
0x91: {  	_ =	swait.ge [sflag:s28], $0x1000  }
0x92: {  	[sflag:s28] =	ssyncset.done $0x0  }
0x93: {  	[sflag:s28] =	ssyncadd.s32 $0xFFFFF000  }
0x94: {  	_ =	swait.ge [sflag:s28], $0x1000  }
0x95: {  	[sflag:s28] =	ssyncset.done $0x0  }
0x96: {  	[sflag:s28] =	ssyncadd.s32 $0xFFFFF000  }
0x97: {  	_ =	swait.ge [sflag:s28], $0x80  }
0x98: {  	[sflag:s28] =	ssyncset.done $0x0  }
0x99: {  	[sflag:s28] =	ssyncadd.s32 $0xFFFFFF80  }
0x9a: {  	_ =	swait.ge [sflag:s28], $0x80  }
0x9b: {  	[sflag:s28] =	ssyncset.done $0x0  }
0x9c: {  	[sflag:s28] =	ssyncadd.s32 $0xFFFFFF80  }
0x9d: {  	_ =	swait.ge [sflag:s28], $0x1000  }
0x9e: {  	[sflag:s28] =	ssyncset.done $0x0  }
0x9f: {  	[sflag:s28] =	ssyncadd.s32 $0xFFFFF000  }
0xa0: {  	_ =	swait.ge [sflag:s28], $0x1000  }
0xa1: {  	[sflag:s28] =	ssyncset.done $0x0  }
0xa2: {  	v0 =	vor.u32 s2, v60;
	[sflag:s28] =	ssyncadd.s32 $0xFFFFF000  }
0xa3: {  	v1 =	vshll.u32 v0, $0x5;
	_ =	swait.ge [sflag:s28], $0x80  }
0xa4: {  	v2 =	vor.u32 v60, v1;
	[sflag:s28] =	ssyncset.done $0x0  }
0xa5: {  	[sflag:s28] =	ssyncadd.s32 $0xFFFFFF80  }
0xa6: {  	_ =	swait.ge [sflag:s28], $0x80  }
0xa7: {  	[sflag:s28] =	ssyncset.done $0x0  }
0xa8: {  	v3 =	vor.u32 v61, v1;
	[sflag:s28] =	ssyncadd.s32 $0xFFFFFF80  }
0xa9: {  	v4 =	vld.idx.msk [tilespmem:v2+s29+$0x0], $0xffff;
	_ =	sdelay $0x1  }
0xaa: {  	v2 =	vld.idx.msk [tilespmem:v2+s30+$0x0], $0xffff  }
0xab: {  	v5 =	vor.u32 v24, v1  }
0xac: {  	v6 =	vld.idx.msk [tilespmem:v3+s29+$0x0], $0xffff  }
0xad: {  	v7 =	vmul.f32 v4, v4  }
0xae: {  	v8 =	vimm.f32 $0.0e+00;
	v36 =	vor.u32 v21, v1;
	v3 =	vld.idx.msk [tilespmem:v3+s30+$0x0], $0xffff  }
0xaf: {  	v9 =	vor.u32 v25, v1;
	v59 =	vld [tilespmem:$0x1FEB0];
	v10 =	vmul.f32 v2, v2;
	v7 =	vadd.f32 v7, v8  }
0xb0: {  	v18 =	vmov v13;
	v11 =	vor.u32 v26, v1;
	v8 =	vld.idx.msk [tilespmem:v5+s29+$0x0], $0xffff  }
0xb1: {  	v43 =	vor.u32 v18, v1;
	v18 =	vld [tilespmem:$0x1FEC0];
	v12 =	vmul.f32 v6, v6;
	v7 =	vadd.f32 v10, v7  }
0xb2: {  	v5 =	vld.idx.msk [tilespmem:v5+s30+$0x0], $0xffff  }
0xb3: {  	v39 =	vld.idx.msk [tilespmem:v36+s29+$0x0], $0xffff;
	v13 =	vmul.f32 v3, v3;
	v10 =	vor.u32 v27, v1;
	v7 =	vadd.f32 v12, v7  }
0xb4: {  	v2 =	vmul.f32 v2, v4;
	v12 =	vld.idx.msk [tilespmem:v9+s29+$0x0], $0xffff  }
0xb5: {  	v19 =	vmov v14;
	v9 =	vld.idx.msk [tilespmem:v9+s30+$0x0], $0xffff;
	v14 =	vmul.f32 v8, v8;
	v7 =	vadd.f32 v13, v7  }
0xb6: {  	v3 =	vmul.f32 v3, v6;
	v2 =	vadd.f32 $0.0e+00, v2;
	v13 =	vld.idx.msk [tilespmem:v11+s30+$0x0], $0xffff  }
0xb7: {  	v51 =	vor.u32 v63, v1;
	v15 =	vmul.f32 v5, v5;
	v11 =	vld.idx.msk [tilespmem:v11+s29+$0x0], $0xffff;
	v7 =	vadd.f32 v14, v7  }
0xb8: {  	v54 =	vor.u32 v38, v1;
	v2 =	vadd.f32 v3, v2;
	v5 =	vmul.f32 v5, v8;
	v8 =	vld.idx.msk [tilespmem:v10+s29+$0x0], $0xffff  }
0xb9: {  	v4 =	vor.u32 v28, v1;
	v14 =	vld.idx.msk [tilespmem:v10+s30+$0x0], $0xffff;
	v10 =	vmul.f32 v12, v12;
	v7 =	vadd.f32 v15, v7  }
0xba: {  	v6 =	vor.u32 v29, v1;
	v2 =	vadd.f32 v5, v2;
	v5 =	vld [tilespmem:$0x1FEA0]  }
0xbb: {  	v36 =	vld.idx.msk [tilespmem:v36+s30+$0x0], $0xffff;
	v12 =	vmul.f32 v9, v12;
	v9 =	vmul.f32 v9, v9;
	v7 =	vadd.f32 v10, v7  }
0xbc: {  	v55 =	vor.u32 v40, v1;
	v21 =	vmov v40;
	v40 =	vld.idx.msk [tilespmem:v51+s30+$0x0], $0xffff;
	v3 =	vor.u32 v30, v1  }
0xbd: {  	v41 =	vld.idx.msk [tilespmem:v54+s30+$0x0], $0xffff;
	v10 =	vmul.f32 v13, v11;
	v11 =	vmul.f32 v11, v11;
	v7 =	vadd.f32 v9, v7  }
0xbe: {  	v15 =	vld.idx.msk [tilespmem:v4+s30+$0x0], $0xffff  }
0xbf: {  	v4 =	vld.idx.msk [tilespmem:v4+s29+$0x0], $0xffff;
	v5 =	vor.u32 v5, v1;
	v13 =	vmul.f32 v13, v13;
	v7 =	vadd.f32 v11, v7  }
0xc0: {  	v44 =	vld.idx.msk [tilespmem:v6+s30+$0x0], $0xffff;
	v2 =	vadd.f32 v12, v2;
	v12 =	vor.u32 v31, v1  }
0xc1: {  	v6 =	vld.idx.msk [tilespmem:v6+s29+$0x0], $0xffff;
	v34 =	vmul.f32 v14, v8;
	v8 =	vmul.f32 v8, v8;
	v7 =	vadd.f32 v13, v7  }
0xc2: {  	v9 =	vld.idx.msk [tilespmem:v3+s29+$0x0], $0xffff;
	v2 =	vadd.f32 v10, v2  }
0xc3: {  	v14 =	vmul.f32 v14, v14;
	v10 =	vor.u32 v32, v1;
	v3 =	vld.idx.msk [tilespmem:v3+s30+$0x0], $0xffff;
	v7 =	vadd.f32 v8, v7  }
0xc4: {  	v35 =	vmul.f32 v15, v4;
	v2 =	vadd.f32 v34, v2;
	v11 =	vld.idx.msk [tilespmem:v5+s29+$0x0], $0xffff  }
0xc5: {  	v45 =	vor.u32 v16, v1;
	v4 =	vmul.f32 v4, v4;
	v5 =	vld.idx.msk [tilespmem:v5+s30+$0x0], $0xffff;
	v7 =	vadd.f32 v14, v7  }
0xc6: {  	v46 =	vmul.f32 v44, v6;
	v13 =	vld.idx.msk [tilespmem:v12+s29+$0x0], $0xffff;
	v2 =	vadd.f32 v35, v2  }
0xc7: {  	v15 =	vmul.f32 v15, v15;
	v12 =	vld.idx.msk [tilespmem:v12+s30+$0x0], $0xffff;
	v4 =	vadd.f32 v4, v7  }
0xc8: {  	v37 =	vmul.f32 v3, v9;
	v8 =	vld.idx.msk [tilespmem:v10+s29+$0x0], $0xffff;
	v2 =	vadd.f32 v46, v2  }
0xc9: {  	v42 =	vmovc v33;
	v16 =	vmov v38;
	v6 =	vmul.f32 v6, v6;
	v10 =	vld.idx.msk [tilespmem:v10+s30+$0x0], $0xffff;
	v4 =	vadd.f32 v15, v4  }
0xca: {  	v56 =	vor.u32 v47, v1;
	v34 =	vld.idx.msk [tilespmem:v45+s30+$0x0], $0xffff;
	v2 =	vadd.f32 v37, v2;
	v52 =	vmul.f32 v5, v11  }
0xcb: {  	v33 =	vmul.f32 v44, v44;
	v46 =	vor.u32 v20, v1;
	v14 =	vld.idx.msk [tilespmem:v45+s29+$0x0], $0xffff;
	v4 =	vadd.f32 v6, v4  }
0xcc: {  	v57 =	vor.u32 v48, v1;
	v38 =	vld.idx.msk [tilespmem:v54+s29+$0x0], $0xffff;
	v7 =	vmul.f32 v12, v13;
	v2 =	vadd.f32 v52, v2  }
0xcd: {  	v58 =	vor.u32 v49, v1;
	v35 =	vld.idx.msk [tilespmem:v51+s29+$0x0], $0xffff;
	v9 =	vmul.f32 v9, v9;
	v4 =	vadd.f32 v33, v4  }
0xce: {  	v3 =	vmul.f32 v3, v3;
	v37 =	vld.idx.msk [tilespmem:v55+s29+$0x0], $0xffff;
	v15 =	vmul.f32 v10, v8;
	v2 =	vadd.f32 v7, v2  }
0xcf: {  	v11 =	vmul.f32 v11, v11;
	v52 =	vld.idx.msk [tilespmem:v56+s29+$0x0], $0xffff;
	v7 =	vor.u32 v22, v1;
	v4 =	vadd.f32 v9, v4  }
0xd0: {  	v45 =	vor.u32 v19, v1;
	v51 =	vld.idx.msk [tilespmem:v46+s29+$0x0], $0xffff;
	v6 =	vmul.f32 v34, v14;
	v2 =	vadd.f32 v15, v2  }
0xd1: {  	v19 =	vmovc v23;
	v15 =	vor.u32 v23, v1;
	v23 =	vmov v48;
	v48 =	vld.idx.msk [tilespmem:v57+s29+$0x0], $0xffff;
	v3 =	vadd.f32 v3, v4  }
0xd2: {  	v33 =	vld.idx.msk [tilespmem:v55+s30+$0x0], $0xffff;
	v2 =	vadd.f32 v6, v2;
	v6 =	vmul.f32 v36, v39  }
0xd3: {  	v42 =	vor.u32 v42, v1;
	v5 =	vmul.f32 v5, v5;
	v55 =	vld.idx.msk [tilespmem:v58+s30+$0x0], $0xffff;
	v3 =	vadd.f32 v11, v3  }
0xd4: {  	v9 =	vld.idx.msk [tilespmem:v7+s30+$0x0], $0xffff;
	v2 =	vadd.f32 v6, v2;
	v6 =	vmul.f32 v40, v35  }
0xd5: {  	v13 =	vmul.f32 v13, v13;
	v7 =	vld.idx.msk [tilespmem:v7+s29+$0x0], $0xffff;
	v3 =	vadd.f32 v5, v3  }
0xd6: {  	v4 =	vld.idx.msk [tilespmem:v15+s30+$0x0], $0xffff;
	v2 =	vadd.f32 v6, v2;
	v6 =	vmul.f32 v41, v38  }
0xd7: {  	v44 =	vor.u32 v62, v1;
	v12 =	vmul.f32 v12, v12;
	v15 =	vld.idx.msk [tilespmem:v15+s29+$0x0], $0xffff;
	v3 =	vadd.f32 v13, v3  }
0xd8: {  	v11 =	vld.idx.msk [tilespmem:v42+s30+$0x0], $0xffff;
	v2 =	vadd.f32 v6, v2;
	v6 =	vmul.f32 v33, v37  }
0xd9: {  	v8 =	vmul.f32 v8, v8;
	v42 =	vld.idx.msk [tilespmem:v42+s29+$0x0], $0xffff;
	v3 =	vadd.f32 v12, v3  }
0xda: {  	v5 =	vld.idx.msk [tilespmem:v43+s30+$0x0], $0xffff;
	v2 =	vadd.f32 v6, v2;
	v6 =	vmul.f32 v9, v7  }
0xdb: {  	v10 =	vmul.f32 v10, v10;
	v43 =	vld.idx.msk [tilespmem:v43+s29+$0x0], $0xffff;
	v3 =	vadd.f32 v8, v3  }
0xdc: {  	v13 =	vld.idx.msk [tilespmem:v44+s30+$0x0], $0xffff;
	v2 =	vadd.f32 v6, v2;
	v6 =	vmul.f32 v4, v15  }
0xdd: {  	v22 =	vmov v47;
	v14 =	vmul.f32 v14, v14;
	v44 =	vld.idx.msk [tilespmem:v44+s29+$0x0], $0xffff;
	v3 =	vadd.f32 v10, v3  }
0xde: {  	v47 =	vor.u32 v53, v1;
	v12 =	vld.idx.msk [tilespmem:v45+s30+$0x0], $0xffff;
	v2 =	vadd.f32 v6, v2;
	v6 =	vmul.f32 v11, v42  }
0xdf: {  	v34 =	vmul.f32 v34, v34;
	v45 =	vld.idx.msk [tilespmem:v45+s29+$0x0], $0xffff;
	v3 =	vadd.f32 v14, v3  }
0xe0: {  	v8 =	vld.idx.msk [tilespmem:v46+s30+$0x0], $0xffff;
	v2 =	vadd.f32 v6, v2;
	v6 =	vmul.f32 v5, v43  }
0xe1: {  	v39 =	vmul.f32 v39, v39;
	v10 =	vld.idx.msk [tilespmem:v56+s30+$0x0], $0xffff;
	v3 =	vadd.f32 v34, v3  }
0xe2: {  	v2 =	vadd.f32 v6, v2;
	v6 =	vmul.f32 v13, v44;
	v56 =	vld.idx.msk [tilespmem:v58+s29+$0x0], $0xffff  }
0xe3: {  	v36 =	vmul.f32 v36, v36;
	v46 =	vor.u32 v50, v1;
	v58 =	vld.idx.msk [tilespmem:v47+s29+$0x0], $0xffff;
	v3 =	vadd.f32 v39, v3  }
0xe4: {  	v14 =	vld.idx.msk [tilespmem:v57+s30+$0x0], $0xffff;
	v2 =	vadd.f32 v6, v2;
	v6 =	vmul.f32 v12, v45  }
0xe5: {  	v3 =	vadd.f32 v36, v3;
	v36 =	vld.idx.msk [tilespmem:v47+s30+$0x0], $0xffff  }
0xe6: {  	v2 =	vadd.f32 v6, v2;
	v6 =	vmul.f32 v8, v51;
	v47 =	vld [tilespmem:$0x1FED0]  }
0xe7: {  	v34 =	vor.u32 v59, v1  }
0xe8: {  	v57 =	vld.idx.msk [tilespmem:v46+s29+$0x0], $0xffff;
	v2 =	vadd.f32 v6, v2;
	v6 =	vmul.f32 v10, v52  }
0xe9: {  	v17 =	vmov v49;
	v49 =	vor.u32 v18, v1;
	v35 =	vmul.f32 v35, v35;
	v39 =	vld.idx.msk [tilespmem:v46+s30+$0x0], $0xffff  }
0xea: {  	v2 =	vadd.f32 v6, v2;
	v6 =	vmul.f32 v14, v48  }
0xeb: {  	v40 =	vmul.f32 v40, v40;
	v59 =	vld [tilespmem:$0x1FEE0];
	v3 =	vadd.f32 v35, v3;
	v1 =	vor.u32 v47, v1  }
0xec: {  	v35 =	vld.idx.msk [tilespmem:v34+s30+$0x0], $0xffff;
	v2 =	vadd.f32 v6, v2;
	v6 =	vmul.f32 v55, v56  }
0xed: {  	v38 =	vmul.f32 v38, v38;
	v34 =	vld.idx.msk [tilespmem:v34+s29+$0x0], $0xffff;
	v3 =	vadd.f32 v40, v3  }
0xee: {  	v2 =	vadd.f32 v6, v2;
	v6 =	vmul.f32 v39, v57;
	v47 =	vld.idx.msk [tilespmem:v49+s30+$0x0], $0xffff  }
0xef: {  	v54 =	vmul.f32 v41, v41;
	v49 =	vld.idx.msk [tilespmem:v49+s29+$0x0], $0xffff;
	v3 =	vadd.f32 v38, v3  }
0xf0: {  	v0 =	vand.u32 v59, v0;
	v2 =	vadd.f32 v6, v2;
	v6 =	vmul.f32 v36, v58;
	v46 =	vld.idx.msk [tilespmem:v1+s30+$0x0], $0xffff  }
0xf1: {  	v18 =	vmov v50;
	v37 =	vmul.f32 v37, v37;
	v3 =	vadd.f32 v54, v3;
	v50 =	vld.idx.msk [tilespmem:v1+s29+$0x0], $0xffff  }
0xf2: {  	v1 =	vadd.f32 v6, v2;
	v2 =	vmul.f32 v35, v34  }
0xf3: {  	v6 =	vmul.f32 v33, v33;
	v3 =	vadd.f32 v37, v3  }
0xf4: {  	v1 =	vadd.f32 v2, v1;
	v2 =	vmul.f32 v47, v49  }
0xf5: {  	v7 =	vmul.f32 v7, v7;
	v33 =	vmov v53;
	v53 =	vld.idx.msk [tilespmem:v0+s31+$0x0], $0xffff;
	v3 =	vadd.f32 v6, v3  }
0xf6: {  	v1 =	vadd.f32 v2, v1;
	v2 =	vmul.f32 v46, v50  }
0xf7: {  	v54 =	vld.idx.msk [tilespmem:v0+s1+$0x0], $0xffff;
	v6 =	vmul.f32 v9, v9;
	v3 =	vadd.f32 v7, v3  }
0xf8: {  	v1 =	vadd.f32 v2, v1  }
0xf9: {  	v3 =	vadd.f32 v6, v3;
	v6 =	vld [tilespmem:$0x8800];
	v2 =	vmul.f32 v15, v15  }
0xfa: {  	v1 =	vadd.f32 v1, v53  }
0xfb: {  	v4 =	vmul.f32 v4, v4;
	v2 =	vadd.f32 v2, v3  }
0xfc: {  	v1 =	vadd.f32 v1, v54  }
0xfd: {  	v3 =	vmul.f32 v42, v42;
	v2 =	vadd.f32 v4, v2  }
0xfe: {  	v1 =	vadd.f32 v1, v6  }
0xff: {  	v4 =	vmul.f32 v11, v11;
	v2 =	vadd.f32 v3, v2  }
0x100: {  	v1 =	vsub.f32 $0.0e+00, v1  }
0x101: {  	v3 =	vmul.f32 v43, v43;
	v2 =	vadd.f32 v4, v2  }
0x102: {  	v1 =	vmul.f32 $1.442695020e+00, v1  }
0x103: {  	v4 =	vmul.f32 v5, v5;
	v2 =	vadd.f32 v3, v2  }
0x104: {  	(erf) = vpow2.f32 v1  }
0x105: {  	v1 =	vmul.f32 v44, v44;
	v2 =	vadd.f32 v4, v2;
	_ =	sdelay $0x1  }
0x106: {  	v3 =	vmul.f32 v13, v13;
	v1 =	vadd.f32 v1, v2;
	_ =	sdelay $0x1  }
0x107: {  	v2 =	vmul.f32 v45, v45;
	v1 =	vadd.f32 v3, v1;
	v3 =	vmul.f32 v12, v12;
	_ =	sdelay $0x1  }
0x108: {  	v1 =	vadd.f32 v2, v1;
	_ =	sdelay $0x1  }
0x109: {  	v2 =	vmul.f32 v51, v51;
	v1 =	vadd.f32 v3, v1;
	v3 =	vpop (erf)  }
0x10a: {  	s9 =	simm.s32 $0x10;
	v13 =	vmul.f32 v34, v34;
	v3 =	vadd.f32 $1.000000000e+00, v3  }
0x10b: {  	v34 =	vor.u32 s9, v60;
	v4 =	vmul.f32 v8, v8;
	v1 =	vadd.f32 v2, v1  }
0x10c: {  	v2 =	vmul.f32 v52, v52;
	v52 =	vshll.u32 v34, $0x5;
	(erf) = vrcp.f32 v3  }
0x10d: {  	[tilespmem:$0x1FE90] =	vst v6;
	v6 =	vmul.f32 v55, v55;
	v55 =	vor.u32 v16, v52;
	v16 =	vld [tilespmem:$0x1FFE0];
	v1 =	vadd.f32 v4, v1;
	_ =	sdelay $0x1  }
0x10e: {  	v3 =	vmul.f32 v10, v10;
	v1 =	vadd.f32 v2, v1;
	_ =	sdelay $0x1  }
0x10f: {  	v2 =	vmul.f32 v48, v48;
	v1 =	vadd.f32 v3, v1  }
0x110: {  	v48 =	vor.u32 v16, v52;
	v16 =	vld [tilespmem:$0x1FF70]  }
0x111: {  	v3 =	vmul.f32 v14, v14;
	v1 =	vadd.f32 v2, v1  }
0x112: {  	v9 =	vmul.f32 v35, v35  }
0x113: {  	v35 =	vor.u32 v28, v52;
	v2 =	vmul.f32 v56, v56;
	v1 =	vadd.f32 v3, v1;
	v5 =	vpop (erf)  }
0x114: {  	v15 =	vmul.f32 v58, v58;
	v12 =	vor.u32 v61, v52;
	[tilespmem:v0+s4+$0x0] =	vst.idx.msk $0xffff, v5;
	v5 =	vld [tilespmem:$0x1FFD0]  }
0x115: {  	v8 =	vor.u32 v25, v52;
	v44 =	vor.u32 v16, v52;
	v16 =	vld [tilespmem:$0x1FFA0];
	v1 =	vadd.f32 v2, v1  }
0x116: {  	v11 =	vor.u32 v26, v52;
	v59 =	vor.u32 v27, v52;
	v7 =	vor.u32 v30, v52  }
0x117: {  	v51 =	vor.u32 v21, v52;
	v3 =	vmul.f32 v57, v57;
	v1 =	vadd.f32 v6, v1  }
0x118: {  	v10 =	vor.u32 v60, v52;
	v56 =	vor.u32 v63, v52;
	v2 =	vmul.f32 v39, v39;
	v63 =	vld.idx.msk [tilespmem:v35+s30+$0x0], $0xffff  }
0x119: {  	v60 =	vadd.f32 v3, v1;
	v1 =	vld [tilespmem:$0x1FFC0];
	v57 =	vor.u32 v5, v52;
	v5 =	vor.u32 v31, v52  }
0x11a: {  	v45 =	vor.u32 v19, v52;
	v42 =	vor.u32 v62, v52;
	v43 =	vor.u32 v16, v52;
	v16 =	vld [tilespmem:$0x1FFB0]  }
0x11b: {  	v40 =	vor.u32 v20, v52;
	v4 =	vmul.f32 v36, v36;
	v62 =	vld.idx.msk [tilespmem:v7+s29+$0x0], $0xffff;
	v36 =	vadd.f32 v2, v60  }
0x11c: {  	v38 =	vor.u32 v23, v52;
	v37 =	vor.u32 v17, v52;
	v14 =	vor.u32 v24, v52;
	v6 =	vld.idx.msk [tilespmem:v12+s30+$0x0], $0xffff  }
0x11d: {  	v0 =	vor.u32 v29, v52;
	v39 =	vor.u32 v22, v52;
	v2 =	vld.idx.msk [tilespmem:v11+s30+$0x0], $0xffff;
	v15 =	vadd.f32 v15, v36  }
0x11e: {  	v3 =	vor.u32 v32, v52;
	v36 =	vor.u32 v18, v52;
	v1 =	vor.u32 v1, v52;
	v58 =	vld.idx.msk [tilespmem:v5+s29+$0x0], $0xffff  }
0x11f: {  	s8 =	simm.s32 $0x20;
	v41 =	vor.u32 v16, v52;
	v15 =	vadd.f32 v4, v15;
	v4 =	vld.idx.msk [tilespmem:v35+s29+$0x0], $0xffff;
	v35 =	vor.u32 v33, v52  }
.LBB2_2:
0x120: {  	v17 =	vld [tilespmem:$0x1FEB0];
	_ =	sdelay $0x2  }
0x121: {  	v33 =	vmov v32  }
0x122: {  	v32 =	vmovc v31;
	v31 =	vmovc v30;
	v30 =	vmov v29;
	v29 =	vmov v28;
	v28 =	vmov v27  }
0x123: {  	v27 =	vmovc v26;
	v26 =	vmovc v25;
	v25 =	vmov v24;
	v24 =	vmov v61;
	v61 =	vor.u32 v17, v52;
	v17 =	vld [tilespmem:$0x1FEC0];
	_ =	sdelay $0x2  }
0x124: {  	v13 =	vadd.f32 v13, v15;
	_ =	sdelay $0x1  }
0x125: {  	v49 =	vmul.f32 v49, v49;
	v9 =	vadd.f32 v9, v13;
	v60 =	vor.u32 v17, v52;
	v17 =	vld [tilespmem:$0x1FED0]  }
0x126: {  	v16 =	vld.idx.msk [tilespmem:v59+s30+$0x0], $0xffff  }
0x127: {  	v11 =	vld.idx.msk [tilespmem:v11+s29+$0x0], $0xffff;
	v47 =	vmul.f32 v47, v47;
	v9 =	vadd.f32 v49, v9  }
0x128: {  	v12 =	vld.idx.msk [tilespmem:v12+s29+$0x0], $0xffff  }
0x129: {  	v50 =	vmul.f32 v50, v50;
	v15 =	vld.idx.msk [tilespmem:v59+s29+$0x0], $0xffff;
	v9 =	vadd.f32 v47, v9  }
0x12a: {  	v59 =	vor.u32 v17, v52;
	v17 =	vld [tilespmem:$0x1FEA0]  }
0x12b: {  	v46 =	vmul.f32 v46, v46;
	v49 =	vld.idx.msk [tilespmem:v10+s30+$0x0], $0xffff;
	v9 =	vadd.f32 v50, v9  }
0x12c: {  	v10 =	vld.idx.msk [tilespmem:v10+s29+$0x0], $0xffff  }
0x12d: {  	v53 =	vmul.f32 v53, v53;
	v21 =	vld.idx.msk [tilespmem:v3+s29+$0x0], $0xffff;
	v9 =	vadd.f32 v46, v9  }
0x12e: {  	v54 =	vmul.f32 v54, v54;
	v23 =	vld.idx.msk [tilespmem:v3+s30+$0x0], $0xffff;
	v19 =	vmul.f32 v6, v12  }
0x12f: {  	v52 =	vor.u32 v17, v52;
	v17 =	vmul.f32 v6, v6;
	v6 =	vld.idx.msk [tilespmem:v5+s30+$0x0], $0xffff;
	v5 =	vadd.f32 v53, v9  }
0x130: {  	v13 =	vld.idx.msk [tilespmem:v8+s30+$0x0], $0xffff  }
0x131: {  	v50 =	vld.idx.msk [tilespmem:v14+s30+$0x0], $0xffff;
	v22 =	vmul.f32 v10, v10;
	v3 =	vadd.f32 v54, v5  }
0x132: {  	v14 =	vld.idx.msk [tilespmem:v14+s29+$0x0], $0xffff  }
0x133: {  	v47 =	vld.idx.msk [tilespmem:v8+s29+$0x0], $0xffff;
	v20 =	vmul.f32 v49, v49;
	v10 =	vmul.f32 v49, v10;
	v22 =	vadd.f32 v22, v3  }
0x134: {  	v5 =	vld.idx.msk [tilespmem:v1+s29+$0x0], $0xffff  }
0x135: {  	v12 =	vmul.f32 v12, v12;
	v3 =	vld.idx.msk [tilespmem:v1+s30+$0x0], $0xffff;
	v1 =	vadd.f32 $0.0e+00, v10;
	v20 =	vadd.f32 v20, v22;
	_ =	sdelay $0x1  }
0x136: {  	v10 =	vmul.f32 v50, v14;
	v1 =	vadd.f32 v19, v1;
	v12 =	vadd.f32 v12, v20  }
0x137: {  	v18 =	vmul.f32 v2, v11;
	v9 =	vmul.f32 v13, v47  }
0x138: {  	v1 =	vadd.f32 v10, v1;
	v10 =	vmul.f32 v14, v14;
	v12 =	vadd.f32 v17, v12  }
0x139: {  	v46 =	vmul.f32 v16, v15;
	v50 =	vmul.f32 v50, v50  }
0x13a: {  	v14 =	vmul.f32 v16, v16;
	v16 =	vld.idx.msk [tilespmem:v0+s30+$0x0], $0xffff;
	v1 =	vadd.f32 v9, v1;
	v9 =	vadd.f32 v10, v12  }
0x13b: {  	v0 =	vld.idx.msk [tilespmem:v0+s29+$0x0], $0xffff  }
0x13c: {  	v10 =	vmul.f32 v47, v47;
	v1 =	vadd.f32 v18, v1;
	v9 =	vadd.f32 v50, v9  }
0x13d: {  	v7 =	vld.idx.msk [tilespmem:v7+s30+$0x0], $0xffff;
	v53 =	vmul.f32 v63, v4  }
0x13e: {  	v13 =	vmul.f32 v13, v13;
	v8 =	vld.idx.msk [tilespmem:v52+s29+$0x0], $0xffff;
	v1 =	vadd.f32 v46, v1;
	v9 =	vadd.f32 v10, v9  }
0x13f: {  	v11 =	vmul.f32 v11, v11;
	v54 =	vld.idx.msk [tilespmem:v52+s30+$0x0], $0xffff  }
0x140: {  	v1 =	vadd.f32 v53, v1;
	v10 =	vmul.f32 v16, v0;
	v9 =	vadd.f32 v13, v9  }
0x141: {  	v2 =	vmul.f32 v2, v2  }
0x142: {  	v49 =	vmul.f32 v7, v62;
	v1 =	vadd.f32 v10, v1;
	v9 =	vadd.f32 v11, v9  }
0x143: {  	v15 =	vmul.f32 v15, v15  }
0x144: {  	v10 =	vmul.f32 v54, v8;
	v1 =	vadd.f32 v49, v1;
	v2 =	vadd.f32 v2, v9;
	_ =	sdelay $0x1  }
0x145: {  	v22 =	vmul.f32 v6, v58;
	v13 =	vld.idx.msk [tilespmem:v57+s29+$0x0], $0xffff;
	v1 =	vadd.f32 v10, v1;
	v2 =	vadd.f32 v15, v2  }
0x146: {  	v4 =	vmul.f32 v4, v4;
	v11 =	vmul.f32 v62, v62;
	v62 =	vld.idx.msk [tilespmem:v57+s30+$0x0], $0xffff  }
0x147: {  	v20 =	vmul.f32 v23, v21;
	v50 =	vld.idx.msk [tilespmem:v56+s30+$0x0], $0xffff;
	v1 =	vadd.f32 v22, v1;
	v2 =	vadd.f32 v14, v2  }
0x148: {  	v17 =	vmul.f32 v3, v5;
	v15 =	vld.idx.msk [tilespmem:v56+s29+$0x0], $0xffff  }
0x149: {  	v12 =	vmul.f32 v63, v63;
	v53 =	vld.idx.msk [tilespmem:v55+s29+$0x0], $0xffff;
	v1 =	vadd.f32 v20, v1;
	v2 =	vadd.f32 v4, v2  }
0x14a: {  	v0 =	vmul.f32 v0, v0;
	v9 =	vld.idx.msk [tilespmem:v55+s30+$0x0], $0xffff  }
0x14b: {  	v52 =	vld.idx.msk [tilespmem:v51+s30+$0x0], $0xffff;
	v1 =	vadd.f32 v17, v1;
	v4 =	vmul.f32 v62, v13;
	v2 =	vadd.f32 v12, v2  }
0x14c: {  	v10 =	vld.idx.msk [tilespmem:v51+s29+$0x0], $0xffff;
	v12 =	vmul.f32 v16, v16  }
0x14d: {  	v57 =	vld.idx.msk [tilespmem:v48+s29+$0x0], $0xffff;
	v1 =	vadd.f32 v4, v1;
	v4 =	vmul.f32 v50, v15;
	v0 =	vadd.f32 v0, v2  }
0x14e: {  	v51 =	vld.idx.msk [tilespmem:v48+s30+$0x0], $0xffff  }
0x14f: {  	v48 =	vld.idx.msk [tilespmem:v45+s30+$0x0], $0xffff;
	v1 =	vadd.f32 v4, v1;
	v2 =	vmul.f32 v9, v53;
	v0 =	vadd.f32 v12, v0  }
0x150: {  	v56 =	vld.idx.msk [tilespmem:v45+s29+$0x0], $0xffff;
	v4 =	vmul.f32 v7, v7  }
0x151: {  	v55 =	vld.idx.msk [tilespmem:v44+s29+$0x0], $0xffff;
	v1 =	vadd.f32 v2, v1;
	v2 =	vmul.f32 v52, v10;
	v0 =	vadd.f32 v11, v0  }
0x152: {  	v45 =	vld.idx.msk [tilespmem:v44+s30+$0x0], $0xffff;
	v11 =	vmul.f32 v8, v8  }
0x153: {  	v7 =	vld.idx.msk [tilespmem:v43+s30+$0x0], $0xffff;
	v1 =	vadd.f32 v2, v1;
	v2 =	vmul.f32 v51, v57;
	v0 =	vadd.f32 v4, v0  }
0x154: {  	v14 =	vmul.f32 v54, v54;
	v8 =	vld.idx.msk [tilespmem:v43+s29+$0x0], $0xffff  }
0x155: {  	v44 =	vld.idx.msk [tilespmem:v42+s29+$0x0], $0xffff;
	v1 =	vadd.f32 v2, v1;
	v2 =	vmul.f32 v48, v56;
	v0 =	vadd.f32 v11, v0  }
0x156: {  	v63 =	vmul.f32 v58, v58;
	v43 =	vld.idx.msk [tilespmem:v42+s30+$0x0], $0xffff  }
0x157: {  	v1 =	vadd.f32 v2, v1;
	v2 =	vmul.f32 v45, v55;
	v0 =	vadd.f32 v14, v0  }
0x158: {  	v42 =	vld.idx.msk [tilespmem:v41+s30+$0x0], $0xffff;
	v11 =	vmul.f32 v6, v6  }
0x159: {  	v41 =	vld.idx.msk [tilespmem:v41+s29+$0x0], $0xffff;
	v1 =	vadd.f32 v2, v1;
	v2 =	vmul.f32 v7, v8;
	v0 =	vadd.f32 v63, v0  }
0x15a: {  	v16 =	vmul.f32 v21, v21;
	v4 =	vld.idx.msk [tilespmem:v40+s30+$0x0], $0xffff  }
0x15b: {  	v40 =	vld.idx.msk [tilespmem:v40+s29+$0x0], $0xffff;
	v14 =	vmul.f32 v43, v44;
	v1 =	vadd.f32 v2, v1;
	v0 =	vadd.f32 v11, v0  }
0x15c: {  	v6 =	vld.idx.msk [tilespmem:v39+s30+$0x0], $0xffff  }
0x15d: {  	v12 =	vmul.f32 v23, v23;
	v39 =	vld.idx.msk [tilespmem:v39+s29+$0x0], $0xffff;
	v1 =	vadd.f32 v14, v1;
	v14 =	vadd.f32 v16, v0  }
0x15e: {  	v22 =	vld.idx.msk [tilespmem:v61+s30+$0x0], $0xffff;
	v11 =	vmul.f32 v42, v41  }
0x15f: {  	v2 =	vld.idx.msk [tilespmem:v38+s30+$0x0], $0xffff;
	v16 =	vmul.f32 v5, v5;
	v12 =	vadd.f32 v12, v14  }
0x160: {  	v17 =	vmul.f32 v4, v40;
	v38 =	vld.idx.msk [tilespmem:v38+s29+$0x0], $0xffff;
	v11 =	vadd.f32 v11, v1  }
0x161: {  	v0 =	vld.idx.msk [tilespmem:v37+s30+$0x0], $0xffff;
	v14 =	vmul.f32 v3, v3;
	v12 =	vadd.f32 v16, v12  }
0x162: {  	v5 =	vld.idx.msk [tilespmem:v37+s29+$0x0], $0xffff;
	v11 =	vadd.f32 v17, v11;
	v17 =	vmul.f32 v6, v39  }
0x163: {  	v13 =	vmul.f32 v13, v13;
	v1 =	vld.idx.msk [tilespmem:v36+s30+$0x0], $0xffff;
	v12 =	vadd.f32 v14, v12  }
0x164: {  	v3 =	vld.idx.msk [tilespmem:v36+s29+$0x0], $0xffff;
	v11 =	vadd.f32 v17, v11  }
0x165: {  	v20 =	vld.idx.msk [tilespmem:v35+s30+$0x0], $0xffff;
	v16 =	vmul.f32 v2, v38;
	v14 =	vmul.f32 v62, v62;
	v12 =	vadd.f32 v13, v12  }
0x166: {  	v21 =	vld.idx.msk [tilespmem:v35+s29+$0x0], $0xffff  }
0x167: {  	v11 =	vadd.f32 v16, v11;
	v16 =	vmul.f32 v0, v5;
	v12 =	vadd.f32 v14, v12;
	v14 =	vld [tilespmem:$0x1FEE0]  }
0x168: {  	v23 =	vld.idx.msk [tilespmem:v61+s29+$0x0], $0xffff;
	v13 =	vmul.f32 v15, v15  }
0x169: {  	v47 =	vld.idx.msk [tilespmem:v60+s30+$0x0], $0xffff;
	v11 =	vadd.f32 v16, v11;
	v15 =	vmul.f32 v1, v3  }
0x16a: {  	v49 =	vld.idx.msk [tilespmem:v60+s29+$0x0], $0xffff;
	v16 =	vmul.f32 v50, v50;
	v12 =	vadd.f32 v13, v12  }
0x16b: {  	v11 =	vadd.f32 v15, v11;
	v15 =	vmul.f32 v20, v21  }
0x16c: {  	v46 =	vld.idx.msk [tilespmem:v59+s30+$0x0], $0xffff;
	v13 =	vmul.f32 v53, v53;
	v12 =	vadd.f32 v16, v12;
	v14 =	vand.u32 v14, v34  }
0x16d: {  	v50 =	vld.idx.msk [tilespmem:v59+s29+$0x0], $0xffff;
	v11 =	vadd.f32 v15, v11;
	v15 =	vmul.f32 v22, v23  }
0x16e: {  	v9 =	vmul.f32 v9, v9;
	v12 =	vadd.f32 v13, v12  }
0x16f: {  	v11 =	vadd.f32 v15, v11;
	v15 =	vmul.f32 v47, v49  }
0x170: {  	v10 =	vmul.f32 v10, v10;
	v9 =	vadd.f32 v9, v12  }
0x171: {  	v11 =	vadd.f32 v15, v11;
	v53 =	vld.idx.msk [tilespmem:v14+s31+$0x0], $0xffff  }
0x172: {  	v13 =	vmul.f32 v46, v50;
	v12 =	vmul.f32 v52, v52;
	v9 =	vadd.f32 v10, v9  }
0x173: {  	v54 =	vld.idx.msk [tilespmem:v14+s1+$0x0], $0xffff  }
0x174: {  	v11 =	vadd.f32 v13, v11;
	v10 =	vmul.f32 v57, v57;
	v9 =	vadd.f32 v12, v9  }
0x175: {  	v13 =	vld [tilespmem:$0x1FE90]  }
0x176: {  	v12 =	vmul.f32 v51, v51;
	v9 =	vadd.f32 v10, v9;
	v11 =	vadd.f32 v11, v53;
	_ =	sdelay $0x1  }
0x177: {  	v10 =	vmul.f32 v56, v56;
	v9 =	vadd.f32 v12, v9;
	v11 =	vadd.f32 v11, v54;
	_ =	sdelay $0x1  }
0x178: {  	v12 =	vmul.f32 v48, v48;
	v9 =	vadd.f32 v10, v9;
	v11 =	vadd.f32 v11, v13;
	_ =	sdelay $0x1  }
0x179: {  	v10 =	vmul.f32 v55, v55;
	v9 =	vadd.f32 v12, v9;
	v11 =	vsub.f32 $0.0e+00, v11;
	_ =	sdelay $0x1  }
0x17a: {  	v12 =	vmul.f32 v45, v45;
	v9 =	vadd.f32 v10, v9;
	v11 =	vmul.f32 $1.442695020e+00, v11;
	_ =	sdelay $0x1  }
0x17b: {  	v8 =	vmul.f32 v8, v8;
	v9 =	vadd.f32 v12, v9;
	(erf) = vpow2.f32 v11;
	_ =	sdelay $0x1  }
0x17c: {  	v7 =	vmul.f32 v7, v7;
	v8 =	vadd.f32 v8, v9;
	_ =	sdelay $0x1  }
0x17d: {  	v10 =	vmul.f32 v44, v44;
	v7 =	vadd.f32 v7, v8;
	_ =	sdelay $0x1  }
0x17e: {  	v8 =	vmul.f32 v43, v43;
	v7 =	vadd.f32 v10, v7;
	_ =	sdelay $0x1  }
0x17f: {  	v10 =	vmul.f32 v41, v41;
	v7 =	vadd.f32 v8, v7  }
0x180: {  	v9 =	vpop (erf)  }
0x181: {  	v8 =	vmul.f32 v42, v42;
	v7 =	vadd.f32 v10, v7;
	v9 =	vadd.f32 $1.000000000e+00, v9;
	_ =	sdelay $0x1  }
0x182: {  	v7 =	vadd.f32 v8, v7;
	(erf) = vrcp.f32 v9;
	v9 =	vmul.f32 v40, v40;
	_ =	sdelay $0x1  }
0x183: {  	v4 =	vmul.f32 v4, v4;
	v7 =	vadd.f32 v9, v7;
	_ =	sdelay $0x1  }
0x184: {  	v8 =	vmul.f32 v39, v39;
	v4 =	vadd.f32 v4, v7;
	_ =	sdelay $0x1  }
0x185: {  	v6 =	vmul.f32 v6, v6;
	v4 =	vadd.f32 v8, v4;
	_ =	sdelay $0x1  }
0x186: {  	v8 =	vmul.f32 v38, v38;
	v4 =	vadd.f32 v6, v4;
	_ =	sdelay $0x1  }
0x187: {  	v2 =	vmul.f32 v2, v2;
	v4 =	vadd.f32 v8, v4;
	_ =	sdelay $0x1  }
0x188: {  	v5 =	vmul.f32 v5, v5;
	v2 =	vadd.f32 v2, v4;
	_ =	sdelay $0x1  }
0x189: {  	v6 =	vmul.f32 v0, v0;
	v2 =	vadd.f32 v5, v2;
	_ =	sdelay $0x1  }
0x18a: {  	v16 =	vmul.f32 v1, v1;
	v1 =	vadd.f32 v6, v2;
	v2 =	vld [tilespmem:$0x1FFD0];
	_ =	sdelay $0x1  }
0x18b: {  	s9 =	smov.u32 s8;
	v60 =	vlaneseq.u32  }
0x18c: {  	v3 =	vmul.f32 v3, v3;
	v34 =	vor.u32 s9, v60  }
0x18d: {  	v52 =	vshll.u32 v34, $0x5  }
0x18e: {  	v57 =	vor.u32 v2, v52;
	v2 =	vadd.f32 v3, v1;
	_ =	sdelay $0x1  }
0x18f: {  	v15 =	vmul.f32 v21, v21;
	v16 =	vadd.f32 v16, v2  }
0x190: {  	v42 =	vld [tilespmem:$0x1FEF0]  }
0x191: {  	v15 =	vadd.f32 v15, v16;
	v16 =	vld [tilespmem:$0x1FF80];
	_ =	sdelay $0x4  }
0x192: {  	v55 =	vor.u32 v42, v52;
	v42 =	vor.u32 v16, v52;
	v16 =	vld [tilespmem:$0x1FFB0];
	_ =	sdelay $0x4  }
0x193: {  	v41 =	vor.u32 v16, v52;
	v16 =	vld [tilespmem:$0x1FF90];
	_ =	sdelay $0x4  }
0x194: {  	v40 =	vor.u32 v16, v52;
	v16 =	vld [tilespmem:$0x1FF10];
	_ =	sdelay $0x4  }
0x195: {  	v39 =	vor.u32 v16, v52;
	v16 =	vld [tilespmem:$0x1FF20];
	_ =	sdelay $0x4  }
0x196: {  	v61 =	vmov v24;
	v38 =	vor.u32 v16, v52;
	v16 =	vld [tilespmem:$0x1FF30]  }
0x197: {  	v58 =	vld [tilespmem:$0x1FF70];
	v24 =	vmovc v25;
	v25 =	vmovc v26;
	v26 =	vmov v27;
	v27 =	vmov v28;
	v28 =	vmov v29  }
0x198: {  	v62 =	vld [tilespmem:$0x1FFA0];
	v17 =	vor.u32 v28, v52  }
0x199: {  	v45 =	vld [tilespmem:$0x1FFF0]  }
0x19a: {  	v44 =	vld [tilespmem:$0x1FFE0]  }
0x19b: {  	v29 =	vmov v30;
	v30 =	vmov v31;
	v7 =	vpop (erf);
	v37 =	vor.u32 v16, v52;
	v16 =	vld [tilespmem:$0x1FF40]  }
0x19c: {  	v31 =	vmov v32;
	v43 =	vld [tilespmem:$0x1FF00];
	[tilespmem:v14+s4+$0x0] =	vst.idx.msk $0xffff, v7;
	v7 =	vor.u32 v30, v52  }
0x19d: {  	v63 =	vld.idx.msk [tilespmem:v17+s30+$0x0], $0xffff;
	v5 =	vor.u32 v31, v52  }
0x19e: {  	v12 =	vor.u32 v61, v52;
	v6 =	vld [tilespmem:$0x1FF60]  }
0x19f: {  	v59 =	vor.u32 v27, v52;
	v11 =	vor.u32 v26, v52;
	v1 =	vld [tilespmem:$0x1FFC0]  }
0x1a0: {  	p0 =	sne.s32 s8, $0x1F0;
	v32 =	vmovc v33;
	v13 =	vmul.f32 v23, v23;
	v45 =	vor.u32 v45, v52;
	v36 =	vor.u32 v16, v52;
	v16 =	vld [tilespmem:$0x1FF50]  }
.Ltmp0:
0x1a1: {  	v48 =	vor.u32 v44, v52;
	v51 =	vor.u32 v43, v52;
	v43 =	vor.u32 v62, v52;
	v62 =	vld.idx.msk [tilespmem:v7+s29+$0x0], $0xffff;
	(pc) =	sbr.rel @p0 .LBB2_2-.Ltmp0, $4  }
0x1a2: {  	v44 =	vor.u32 v58, v52;
	v10 =	vor.u32 v60, v52;
	v9 =	vmul.f32 v22, v22;
	v58 =	vld.idx.msk [tilespmem:v5+s29+$0x0], $0xffff  }
0x1a3: {  	v0 =	vor.u32 v29, v52;
	v4 =	vmul.f32 v20, v20;
	v56 =	vor.u32 v6, v52;
	v6 =	vld.idx.msk [tilespmem:v12+s30+$0x0], $0xffff  }
0x1a4: {  	v8 =	vor.u32 v25, v52;
	v14 =	vor.u32 v24, v52;
	v3 =	vor.u32 v33, v52;
	v2 =	vld.idx.msk [tilespmem:v11+s30+$0x0], $0xffff  }
0x1a5: {  	s8 =	sadd.s32 $0x10, s8;
	v1 =	vor.u32 v1, v52;
	v15 =	vadd.f32 v4, v15;
	v4 =	vld.idx.msk [tilespmem:v17+s29+$0x0], $0xffff;
	v35 =	vor.u32 v16, v52  }
0x1a6: {  	_ = 	snop  }
0x1a7: {  	v13 =	vadd.f32 v13, v15;
	_ =	sdelay $0x1  }
0x1a8: {  	v15 =	vmul.f32 v49, v49;
	v9 =	vadd.f32 v9, v13;
	_ =	sdelay $0x1  }
0x1a9: {  	v13 =	vmul.f32 v47, v47;
	v9 =	vadd.f32 v15, v9;
	_ =	sdelay $0x1  }
0x1aa: {  	v15 =	vmul.f32 v50, v50;
	v9 =	vadd.f32 v13, v9;
	_ =	sdelay $0x1  }
0x1ab: {  	v13 =	vmul.f32 v46, v46;
	v9 =	vadd.f32 v15, v9  }
0x1ac: {  	v15 =	vld.idx.msk [tilespmem:v10+s29+$0x0], $0xffff  }
0x1ad: {  	v16 =	vmul.f32 v53, v53;
	v9 =	vadd.f32 v13, v9  }
0x1ae: {  	v53 =	vld.idx.msk [tilespmem:v10+s30+$0x0], $0xffff  }
0x1af: {  	v13 =	vmul.f32 v54, v54;
	v9 =	vadd.f32 v16, v9  }
0x1b0: {  	v12 =	vld.idx.msk [tilespmem:v12+s29+$0x0], $0xffff  }
0x1b1: {  	v16 =	vmul.f32 v15, v15;
	v9 =	vadd.f32 v13, v9;
	_ =	sdelay $0x1  }
0x1b2: {  	v13 =	vmul.f32 v53, v53;
	v9 =	vadd.f32 v16, v9  }
0x1b3: {  	v16 =	vld.idx.msk [tilespmem:v14+s29+$0x0], $0xffff  }
0x1b4: {  	v17 =	vmul.f32 v12, v12;
	v9 =	vadd.f32 v13, v9  }
0x1b5: {  	v13 =	vld.idx.msk [tilespmem:v14+s30+$0x0], $0xffff  }
0x1b6: {  	v14 =	vmul.f32 v6, v6;
	v9 =	vadd.f32 v17, v9  }
0x1b7: {  	v17 =	vld.idx.msk [tilespmem:v8+s29+$0x0], $0xffff  }
0x1b8: {  	v18 =	vmul.f32 v16, v16;
	v9 =	vadd.f32 v14, v9  }
0x1b9: {  	v33 =	vld.idx.msk [tilespmem:v8+s30+$0x0], $0xffff  }
0x1ba: {  	v14 =	vmul.f32 v13, v13;
	v9 =	vadd.f32 v18, v9  }
0x1bb: {  	v11 =	vld.idx.msk [tilespmem:v11+s29+$0x0], $0xffff  }
0x1bc: {  	v18 =	vmul.f32 v17, v17;
	v9 =	vadd.f32 v14, v9;
	_ =	sdelay $0x1  }
0x1bd: {  	v14 =	vmul.f32 v33, v33;
	v9 =	vadd.f32 v18, v9  }
0x1be: {  	v18 =	vld.idx.msk [tilespmem:v59+s29+$0x0], $0xffff  }
0x1bf: {  	v19 =	vmul.f32 v11, v11;
	v9 =	vadd.f32 v14, v9  }
0x1c0: {  	v14 =	vld.idx.msk [tilespmem:v59+s30+$0x0], $0xffff  }
0x1c1: {  	v20 =	vmul.f32 v2, v2;
	v9 =	vadd.f32 v19, v9;
	_ =	sdelay $0x1  }
0x1c2: {  	v19 =	vmul.f32 v18, v18;
	v9 =	vadd.f32 v20, v9;
	_ =	sdelay $0x1  }
0x1c3: {  	v20 =	vmul.f32 v14, v14;
	v9 =	vadd.f32 v19, v9;
	_ =	sdelay $0x1  }
0x1c4: {  	v9 =	vadd.f32 v20, v9;
	v20 =	vld [tilespmem:$0x1FEA0];
	_ =	sdelay $0x1  }
0x1c5: {  	v19 =	vld.idx.msk [tilespmem:v0+s29+$0x0], $0xffff  }
0x1c6: {  	v21 =	vmul.f32 v4, v4  }
0x1c7: {  	v46 =	vld.idx.msk [tilespmem:v0+s30+$0x0], $0xffff  }
0x1c8: {  	v22 =	vmul.f32 v63, v63;
	v9 =	vadd.f32 v21, v9;
	v20 =	vor.u32 v20, v52;
	_ =	sdelay $0x1  }
0x1c9: {  	v21 =	vmul.f32 v19, v19;
	v9 =	vadd.f32 v22, v9  }
0x1ca: {  	v7 =	vld.idx.msk [tilespmem:v7+s30+$0x0], $0xffff  }
0x1cb: {  	v22 =	vmul.f32 v46, v46;
	v9 =	vadd.f32 v21, v9  }
0x1cc: {  	v21 =	vld.idx.msk [tilespmem:v20+s29+$0x0], $0xffff  }
0x1cd: {  	v23 =	vmul.f32 v62, v62;
	v9 =	vadd.f32 v22, v9  }
0x1ce: {  	v20 =	vld.idx.msk [tilespmem:v20+s30+$0x0], $0xffff  }
0x1cf: {  	v22 =	vmul.f32 v7, v7;
	v9 =	vadd.f32 v23, v9  }
0x1d0: {  	v10 =	vmul.f32 v53, v15  }
0x1d1: {  	v9 =	vadd.f32 v22, v9;
	v15 =	vmul.f32 v21, v21  }
0x1d2: {  	v5 =	vld.idx.msk [tilespmem:v5+s30+$0x0], $0xffff;
	v47 =	vmul.f32 v6, v12;
	v10 =	vadd.f32 $0.0e+00, v10  }
0x1d3: {  	v12 =	vmul.f32 v20, v20;
	v9 =	vadd.f32 v15, v9  }
0x1d4: {  	v6 =	vadd.f32 v47, v10;
	v13 =	vmul.f32 v13, v16;
	v15 =	vld.idx.msk [tilespmem:v3+s29+$0x0], $0xffff  }
0x1d5: {  	v49 =	vmul.f32 v58, v58;
	v9 =	vadd.f32 v12, v9  }
0x1d6: {  	v8 =	vmul.f32 v33, v17;
	v6 =	vadd.f32 v13, v6;
	v3 =	vld.idx.msk [tilespmem:v3+s30+$0x0], $0xffff  }
0x1d7: {  	v12 =	vmul.f32 v5, v5;
	v9 =	vadd.f32 v49, v9  }
0x1d8: {  	v50 =	vmul.f32 v2, v11;
	v10 =	vld.idx.msk [tilespmem:v1+s29+$0x0], $0xffff;
	v6 =	vadd.f32 v8, v6  }
0x1d9: {  	v53 =	vmul.f32 v15, v15;
	v9 =	vadd.f32 v12, v9  }
0x1da: {  	v1 =	vld.idx.msk [tilespmem:v1+s30+$0x0], $0xffff;
	v2 =	vadd.f32 v50, v6;
	v54 =	vmul.f32 v14, v18  }
0x1db: {  	v59 =	vmul.f32 v3, v3;
	v8 =	vadd.f32 v53, v9  }
0x1dc: {  	v63 =	vmul.f32 v63, v4;
	v2 =	vadd.f32 v54, v2;
	v9 =	vld.idx.msk [tilespmem:v57+s29+$0x0], $0xffff  }
0x1dd: {  	v33 =	vmul.f32 v10, v10;
	v6 =	vadd.f32 v59, v8  }
0x1de: {  	v2 =	vadd.f32 v63, v2;
	v0 =	vmul.f32 v46, v19;
	v46 =	vld.idx.msk [tilespmem:v57+s30+$0x0], $0xffff  }
0x1df: {  	v47 =	vmul.f32 v1, v1;
	v6 =	vadd.f32 v33, v6  }
0x1e0: {  	v0 =	vadd.f32 v0, v2;
	v7 =	vmul.f32 v7, v62;
	v49 =	vld.idx.msk [tilespmem:v56+s29+$0x0], $0xffff  }
0x1e1: {  	v50 =	vmul.f32 v9, v9;
	v6 =	vadd.f32 v47, v6  }
0x1e2: {  	v54 =	vld.idx.msk [tilespmem:v56+s30+$0x0], $0xffff;
	v0 =	vadd.f32 v7, v0;
	v53 =	vmul.f32 v20, v21  }
0x1e3: {  	v12 =	vmul.f32 v46, v46;
	v6 =	vadd.f32 v50, v6  }
0x1e4: {  	v5 =	vmul.f32 v5, v58;
	v56 =	vld.idx.msk [tilespmem:v55+s29+$0x0], $0xffff;
	v0 =	vadd.f32 v53, v0  }
0x1e5: {  	v16 =	vld [tilespmem:$0x1FEB0];
	v57 =	vmul.f32 v49, v49;
	v6 =	vadd.f32 v12, v6  }
0x1e6: {  	v58 =	vld.idx.msk [tilespmem:v55+s30+$0x0], $0xffff;
	v3 =	vmul.f32 v3, v15;
	v0 =	vadd.f32 v5, v0  }
0x1e7: {  	v13 =	vld.idx.msk [tilespmem:v40+s29+$0x0], $0xffff;
	v12 =	vmul.f32 v54, v54;
	v6 =	vadd.f32 v57, v6  }
0x1e8: {  	v1 =	vmul.f32 v1, v10;
	v59 =	vld.idx.msk [tilespmem:v51+s29+$0x0], $0xffff;
	v0 =	vadd.f32 v3, v0  }
0x1e9: {  	v17 =	vld.idx.msk [tilespmem:v37+s29+$0x0], $0xffff;
	v62 =	vmul.f32 v56, v56;
	v6 =	vadd.f32 v12, v6  }
0x1ea: {  	v63 =	vld.idx.msk [tilespmem:v51+s30+$0x0], $0xffff;
	v33 =	vmul.f32 v46, v9;
	v0 =	vadd.f32 v1, v0  }
0x1eb: {  	v14 =	vld.idx.msk [tilespmem:v39+s29+$0x0], $0xffff;
	v46 =	vmul.f32 v58, v58;
	v6 =	vadd.f32 v62, v6  }
0x1ec: {  	v47 =	vmul.f32 v54, v49;
	v49 =	vld.idx.msk [tilespmem:v48+s29+$0x0], $0xffff;
	v0 =	vadd.f32 v33, v0  }
0x1ed: {  	v51 =	vmul.f32 v59, v59;
	v50 =	vld.idx.msk [tilespmem:v48+s30+$0x0], $0xffff;
	v4 =	vadd.f32 v46, v6  }
0x1ee: {  	v55 =	vld.idx.msk [tilespmem:v45+s29+$0x0], $0xffff;
	v54 =	vmul.f32 v58, v56;
	v0 =	vadd.f32 v47, v0  }
0x1ef: {  	v53 =	vld.idx.msk [tilespmem:v45+s30+$0x0], $0xffff;
	v56 =	vmul.f32 v63, v63;
	v4 =	vadd.f32 v51, v4  }
0x1f0: {  	v58 =	vmul.f32 v63, v59;
	v59 =	vld.idx.msk [tilespmem:v44+s29+$0x0], $0xffff;
	v0 =	vadd.f32 v54, v0  }
0x1f1: {  	v57 =	vld.idx.msk [tilespmem:v44+s30+$0x0], $0xffff;
	v62 =	vmul.f32 v49, v49;
	v4 =	vadd.f32 v56, v4  }
0x1f2: {  	v63 =	vld.idx.msk [tilespmem:v43+s30+$0x0], $0xffff;
	v33 =	vmul.f32 v50, v49;
	v0 =	vadd.f32 v58, v0  }
0x1f3: {  	v44 =	vld.idx.msk [tilespmem:v43+s29+$0x0], $0xffff;
	v8 =	vmul.f32 v50, v50;
	v4 =	vadd.f32 v62, v4  }
0x1f4: {  	v45 =	vld.idx.msk [tilespmem:v42+s30+$0x0], $0xffff;
	v0 =	vadd.f32 v33, v0;
	v46 =	vmul.f32 v53, v55  }
0x1f5: {  	v5 =	vmul.f32 v55, v55;
	v47 =	vld.idx.msk [tilespmem:v42+s29+$0x0], $0xffff;
	v4 =	vadd.f32 v8, v4  }
0x1f6: {  	v48 =	vld.idx.msk [tilespmem:v41+s30+$0x0], $0xffff;
	v49 =	vmul.f32 v57, v59;
	v0 =	vadd.f32 v46, v0  }
0x1f7: {  	v12 =	vld.idx.msk [tilespmem:v41+s29+$0x0], $0xffff;
	v6 =	vmul.f32 v53, v53;
	v4 =	vadd.f32 v5, v4  }
0x1f8: {  	v18 =	vld [tilespmem:$0x1FEC0];
	v51 =	vmul.f32 v63, v44;
	v0 =	vadd.f32 v49, v0  }
0x1f9: {  	v50 =	vld.idx.msk [tilespmem:v40+s30+$0x0], $0xffff;
	v3 =	vmul.f32 v59, v59;
	v4 =	vadd.f32 v6, v4  }
0x1fa: {  	v19 =	vld.idx.msk [tilespmem:v36+s29+$0x0], $0xffff;
	v54 =	vmul.f32 v45, v47;
	v0 =	vadd.f32 v51, v0  }
0x1fb: {  	v9 =	vmul.f32 v57, v57;
	v53 =	vld.idx.msk [tilespmem:v39+s30+$0x0], $0xffff;
	v3 =	vadd.f32 v3, v4  }
0x1fc: {  	v15 =	vld.idx.msk [tilespmem:v38+s29+$0x0], $0xffff;
	v56 =	vmul.f32 v48, v12;
	v0 =	vadd.f32 v54, v0  }
0x1fd: {  	v2 =	vmul.f32 v44, v44;
	v55 =	vld.idx.msk [tilespmem:v38+s30+$0x0], $0xffff;
	v3 =	vadd.f32 v9, v3  }
0x1fe: {  	v20 =	vld [tilespmem:$0x1FED0];
	v58 =	vmul.f32 v50, v13;
	v0 =	vadd.f32 v56, v0  }
0x1ff: {  	v16 =	vor.u32 v16, v52;
	v7 =	vmul.f32 v63, v63;
	v57 =	vld.idx.msk [tilespmem:v37+s30+$0x0], $0xffff;
	v2 =	vadd.f32 v2, v3  }
0x200: {  	v22 =	vld [tilespmem:$0x1FEE0];
	v62 =	vmul.f32 v53, v14;
	v0 =	vadd.f32 v58, v0  }
0x201: {  	v18 =	vor.u32 v18, v52;
	v59 =	vld.idx.msk [tilespmem:v36+s30+$0x0], $0xffff;
	v11 =	vmul.f32 v47, v47;
	v2 =	vadd.f32 v7, v2  }
0x202: {  	v21 =	vld.idx.msk [tilespmem:v35+s29+$0x0], $0xffff;
	v33 =	vmul.f32 v55, v15;
	v0 =	vadd.f32 v62, v0  }
0x203: {  	v20 =	vor.u32 v20, v52;
	v10 =	vmul.f32 v45, v45;
	v63 =	vld.idx.msk [tilespmem:v35+s30+$0x0], $0xffff;
	v2 =	vadd.f32 v11, v2  }
0x204: {  	v35 =	vld.idx.msk [tilespmem:v16+s30+$0x0], $0xffff;
	v36 =	vmul.f32 v57, v17;
	v0 =	vadd.f32 v33, v0  }
0x205: {  	v16 =	vld.idx.msk [tilespmem:v16+s29+$0x0], $0xffff;
	v12 =	vmul.f32 v12, v12;
	v2 =	vadd.f32 v10, v2  }
0x206: {  	v37 =	vld.idx.msk [tilespmem:v18+s30+$0x0], $0xffff;
	v38 =	vmul.f32 v59, v19;
	v0 =	vadd.f32 v36, v0  }
0x207: {  	v18 =	vld.idx.msk [tilespmem:v18+s29+$0x0], $0xffff;
	v8 =	vmul.f32 v48, v48;
	v2 =	vadd.f32 v12, v2  }
0x208: {  	v22 =	vand.u32 v22, v34;
	v39 =	vmul.f32 v63, v21;
	v0 =	vadd.f32 v38, v0;
	v12 =	vld.idx.msk [tilespmem:v20+s30+$0x0], $0xffff  }
0x209: {  	v13 =	vmul.f32 v13, v13;
	v20 =	vld.idx.msk [tilespmem:v20+s29+$0x0], $0xffff;
	v2 =	vadd.f32 v8, v2  }
0x20a: {  	v40 =	vmul.f32 v35, v16;
	v0 =	vadd.f32 v39, v0  }
0x20b: {  	v5 =	vmul.f32 v50, v50;
	v2 =	vadd.f32 v13, v2  }
0x20c: {  	v41 =	vmul.f32 v37, v18;
	v0 =	vadd.f32 v40, v0  }
0x20d: {  	v42 =	vld.idx.msk [tilespmem:v22+s31+$0x0], $0xffff;
	v13 =	vmul.f32 v14, v14;
	v2 =	vadd.f32 v5, v2  }
0x20e: {  	v0 =	vadd.f32 v41, v0;
	v43 =	vmul.f32 v12, v20  }
0x20f: {  	v44 =	vld.idx.msk [tilespmem:v22+s1+$0x0], $0xffff;
	v6 =	vmul.f32 v53, v53;
	v2 =	vadd.f32 v13, v2  }
0x210: {  	v0 =	vadd.f32 v43, v0  }
0x211: {  	v45 =	vmul.f32 v15, v15;
	v47 =	vld [tilespmem:$0x1FE90];
	v2 =	vadd.f32 v6, v2  }
0x212: {  	v0 =	vadd.f32 v0, v42  }
0x213: {  	v4 =	vmul.f32 v55, v55;
	v1 =	vadd.f32 v45, v2  }
0x214: {  	v0 =	vadd.f32 v0, v44  }
0x215: {  	v46 =	vmul.f32 v17, v17;
	v1 =	vadd.f32 v4, v1  }
0x216: {  	v0 =	vadd.f32 v0, v47  }
0x217: {  	v48 =	vmul.f32 v57, v57;
	v1 =	vadd.f32 v46, v1  }
0x218: {  	v0 =	vsub.f32 $0.0e+00, v0  }
0x219: {  	v49 =	vmul.f32 v19, v19;
	v1 =	vadd.f32 v48, v1  }
0x21a: {  	v0 =	vmul.f32 $1.442695020e+00, v0  }
0x21b: {  	v3 =	vmul.f32 v59, v59;
	v1 =	vadd.f32 v49, v1  }
0x21c: {  	(erf) = vpow2.f32 v0  }
0x21d: {  	v50 =	vmul.f32 v21, v21;
	v1 =	vadd.f32 v3, v1;
	_ =	sdelay $0x1  }
0x21e: {  	v51 =	vmul.f32 v63, v63;
	v0 =	vadd.f32 v50, v1;
	_ =	sdelay $0x1  }
0x21f: {  	v52 =	vmul.f32 v16, v16;
	v0 =	vadd.f32 v51, v0;
	_ =	sdelay $0x1  }
0x220: {  	v53 =	vmul.f32 v35, v35;
	v0 =	vadd.f32 v52, v0;
	_ =	sdelay $0x1  }
0x221: {  	v55 =	vmul.f32 v18, v18;
	v54 =	vpop (erf);
	v0 =	vadd.f32 v53, v0  }
0x222: {  	v1 =	vadd.f32 $1.000000000e+00, v54  }
0x223: {  	v56 =	vmul.f32 v37, v37;
	v0 =	vadd.f32 v55, v0  }
0x224: {  	(erf) = vrcp.f32 v1  }
0x225: {  	v57 =	vmul.f32 v20, v20;
	v0 =	vadd.f32 v56, v0;
	_ =	sdelay $0x1  }
0x226: {  	v58 =	vmul.f32 v12, v12;
	v0 =	vadd.f32 v57, v0;
	_ =	sdelay $0x1  }
0x227: {  	v59 =	vmul.f32 v42, v42;
	v0 =	vadd.f32 v58, v0;
	_ =	sdelay $0x1  }
0x228: {  	v62 =	vmul.f32 v44, v44;
	v0 =	vadd.f32 v59, v0;
	_ =	sdelay $0x1  }
0x229: {  	v63 =	vpop (erf);
	v0 =	vadd.f32 v62, v0  }
0x22a: {  	[tilespmem:v22+s4+$0x0] =	vst.idx.msk $0xffff, v63  }
0x22b: {  	[tilespmem:$0x8A10] =	vst v0  }
0x22c: {  	[hbm4b:s16+s2] =	stream.linear.scatter [tilespmem:s4], [sflag:$0x2], $0x200, $0x38;
	[tilespmem:$0x8A20] =	vst v63  }
0x22d: {  	_ =	swait.ge [sflag:s26], $0x200  }
0x22e: {  	[sflag:s26] =	ssyncset.done $0x0  }
0x22f: {  	s8 =	simm.s32 $0x8A10;
	[sflag:s26] =	ssyncadd.s32 $0xFFFFFE00  }
0x230: {  	[hbm4b:s17+s2] =	stream.linear.scatter [tilespmem:s8], [sflag:$0x2], $0x10, $0x38;
	[tilespmem:$0x8A20] =	vst v63  }
0x231: {  	_ =	swait.ge [sflag:s26], $0x10  }
0x232: {  	v16 =	vld [tilespmem:$0x1FFC0]  }
0x233: {  	v21 =	vld [tilespmem:$0x1FFD0]  }
0x234: {  	v22 =	vld [tilespmem:$0x1FFE0]  }
0x235: {  	v23 =	vld [tilespmem:$0x1FFF0]  }
0x236: {  	v33 =	vld [tilespmem:$0x1FF70]  }
0x237: {  	v13 =	vld [tilespmem:$0x1FFA0]  }
0x238: {  	v62 =	vld [tilespmem:$0x1FF80]  }
0x239: {  	v14 =	vld [tilespmem:$0x1FFB0]  }
0x23a: {  	v20 =	vld [tilespmem:$0x1FF90]  }
0x23b: {  	v63 =	vld [tilespmem:$0x1FF60]  }
0x23c: {  	s7 =	sadd.s32 $0x1, s7;
	v47 =	vld [tilespmem:$0x1FF10]  }
0x23d: {  	p0 =	sne.s32 s7, s18;
	v48 =	vld [tilespmem:$0x1FF20]  }
.Ltmp1:
0x23e: {  	v38 =	vld [tilespmem:$0x1FEF0];
	(pc) =	sbr.rel @p0 .LBB2_1-.Ltmp1, $4  }
0x23f: {  	v49 =	vld [tilespmem:$0x1FF30]  }
0x240: {  	v50 =	vld [tilespmem:$0x1FF40]  }
0x241: {  	[sflag:s26] =	ssyncset.done $0x0;
	v53 =	vld [tilespmem:$0x1FF50]  }
0x242: {  	v40 =	vld [tilespmem:$0x1FF00];
	[sflag:s26] =	ssyncadd.s32 $0xFFFFFFF0  }
0x243: {  	_ =	sfence.sel $0x180000  }
0x244: {  	[bflag:$0x0] =	sbarrier.arrive $0xFFFF  }
0x245: {  	_ =	strace $0x90000047  }
0x246: {  	s0 =	stileid.u32;
	[bflag:$0x2] =	sbarrier.arrive $0xFFFF  }
0x247: {  	p0 =	sne.s32 s0, $0x0;
	s0 =	rddreg [dreg:$0x4]  }
0x248: {  	s0 =	sadd.s32 @!p0 $0x100000, s0  }
0x249: {  	[sflag:s0] =	ssyncadd.tile.s32 @!p0 $0x1;
	_ =	shalt  }
.Lfunc_end2:
_tile_overlayer_lowered:
.L_overlay_start_2:
0x24a: {  	(tag) =	ssettag $0x2  }
0x24b: {  	s0 =	rddreg [dreg:$0x0];
	s2 =	stileid.u32  }
0x24c: {  	s1 =	rddreg [dreg:$0x1];
	p0 =	sne.s32 s2, $0x0  }
0x24d: {  	s3 =	rddreg [dreg:$0x2];
	[bflag:$0x3] =	sbarrier.arrive $0xFFFF;
	s2 =	simm.s32 @!p0 $0x1C02  }
0x24e: {  	[timem:s3], [sflag:s2] =	dma.local @!p0 [hbm:s0], s1  }
0x24f: {  	s0 =	simm.s32 @!p0 $0x2  }
0x250: {  	_ =	swait.ge @!p0 [sflag:s0], s1  }
0x251: {  	s1 =	ssub.s32 @!p0 $0x0, s1;
	[sflag:s0] =	ssyncset.done @!p0 $0x0  }
0x252: {  	[sflag:s0] =	ssyncadd.s32 @!p0 s1  }
0x253: {  	[bflag:$0x3] =	sbarrier.arrive $0xFFFF  }
0x254: {  	_ =	shalt  }

</sc_bundles>
